<compile_context>
chip_gen: v7x
topology: tpu7x:2x2x1
jax: 0.10.2.dev20260603
libtpu: 0.0.44.dev20260713+nightly
codegen_flags: <defaults>
</compile_context>

<pallas_src>
import jax
import jax.numpy as jnp
from jax import lax
from jax.experimental import pallas as pl
from jax.experimental.pallas import tpu as pltpu
from jax.experimental.pallas import tpu_sc as plsc

T = 32
E = 64
D = 1024
L = 16
NCH = E // L


def _gate_body(x_ref, wg_ref, bg_ref, o_ref):
    o_ref[...] = (
        jnp.dot(x_ref[...], wg_ref[...], preferred_element_type=jnp.float32)
        + bg_ref[...]
    )


def _gate(x, Wg, bg):
    return pl.pallas_call(
        _gate_body,
        out_shape=jax.ShapeDtypeStruct((T, E), jnp.float32),
    )(x, Wg, bg.reshape(1, E))


_TPT = T // 16


def _route_body(logits_hbm, ids_hbm, nact_hbm, wq_hbm,
                lg2, wq2, wq, ids_v, nact_v):
    c = lax.axis_index("c")
    s = lax.axis_index("s")

    @pl.when(c == 0)
    def _():
        iota = lax.iota(jnp.int32, L)
        gidx = [iota + L * k for k in range(NCH)]
        NEG = jnp.float32(-1e30)
        BIG = jnp.int32(9999)

        pltpu.sync_copy(logits_hbm.at[pl.ds(s * _TPT, _TPT)], lg2)
        for tt in range(_TPT):
            lk = [lg2[tt, pl.ds(L * k, L)] for k in range(NCH)]
            m = jnp.max(lk[0])
            for k in range(1, NCH):
                m = jnp.maximum(m, jnp.max(lk[k]))
            mv = jnp.full((L,), m, jnp.float32)
            ek = [jnp.exp(lk[k] - mv) for k in range(NCH)]
            Z = jnp.sum(ek[0])
            for k in range(1, NCH):
                Z = Z + jnp.sum(ek[k])
            Zv = jnp.full((L,), Z, jnp.float32)
            idx1 = jnp.min(jnp.where(lk[0] == mv, gidx[0], jnp.full((L,), BIG)))
            for k in range(1, NCH):
                idx1 = jnp.minimum(
                    idx1,
                    jnp.min(jnp.where(lk[k] == mv, gidx[k], jnp.full((L,), BIG))),
                )
            i1v = jnp.full((L,), idx1, jnp.int32)
            l2k = [
                jnp.where(gidx[k] == i1v, jnp.full((L,), NEG), lk[k])
                for k in range(NCH)
            ]
            m2 = jnp.max(l2k[0])
            for k in range(1, NCH):
                m2 = jnp.maximum(m2, jnp.max(l2k[k]))
            m2v = jnp.full((L,), m2, jnp.float32)
            idx2 = jnp.min(jnp.where(l2k[0] == m2v, gidx[0], jnp.full((L,), BIG)))
            for k in range(1, NCH):
                idx2 = jnp.minimum(
                    idx2,
                    jnp.min(jnp.where(l2k[k] == m2v, gidx[k], jnp.full((L,), BIG))),
                )
            i2v = jnp.full((L,), idx2, jnp.int32)
            for k in range(NCH):
                selk = jnp.logical_or(gidx[k] == i1v, gidx[k] == i2v)
                wk = jnp.where(selk, ek[k] / Zv, jnp.zeros((L,), jnp.float32))
                wq2[tt, pl.ds(L * k, L)] = wk
        pltpu.sync_copy(wq2, wq_hbm.at[pl.ds(s * _TPT, _TPT)])
        plsc.subcore_barrier()

        @pl.when(s == 0)
        def _():
            pltpu.sync_copy(wq_hbm, wq)

            def row_body(t, acc):
                return tuple(
                    jnp.maximum(acc[k], wq[t, pl.ds(L * k, L)])
                    for k in range(NCH)
                )

            zero = jnp.zeros((L,), jnp.float32)
            acc = lax.fori_loop(0, T, row_body, (zero,) * NCH)

            off = jnp.int32(0)
            for k in range(NCH):
                selk = acc[k] > 0.0
                sel_i = jnp.where(
                    selk, jnp.ones((L,), jnp.int32), jnp.zeros((L,), jnp.int32)
                )
                cs = plsc.cumsum(sel_i) + jnp.full((L,), off, jnp.int32)
                pos = jnp.maximum(cs - 1, jnp.zeros((L,), jnp.int32))
                plsc.store_scatter(ids_v, [pos], gidx[k], mask=selk)
                off = off + jnp.sum(sel_i)
            n = off
            lastv = plsc.load_gather(ids_v, [jnp.full((L,), n - 1, jnp.int32)])
            for k in range(NCH):
                cur = ids_v[pl.ds(L * k, L)]
                nv = jnp.full((L,), n, jnp.int32)
                ids_v[pl.ds(L * k, L)] = jnp.where(gidx[k] >= nv, lastv, cur)
            nact_v[...] = jnp.full((L,), n, jnp.int32)

            pltpu.sync_copy(ids_v, ids_hbm)
            pltpu.sync_copy(nact_v, nact_hbm)


def _route(gate_logits):
    mesh = plsc.VectorSubcoreMesh(core_axis_name="c", subcore_axis_name="s")
    return pl.kernel(
        _route_body,
        compiler_params=pltpu.CompilerParams(needs_layout_passes=False),
        out_type=(
            jax.ShapeDtypeStruct((E,), jnp.int32),
            jax.ShapeDtypeStruct((L,), jnp.int32),
            jax.ShapeDtypeStruct((T, E), jnp.float32),
        ),
        mesh=mesh,
        scratch_types=(
            pltpu.VMEM((_TPT, E), jnp.float32),
            pltpu.VMEM((_TPT, E), jnp.float32),
            pltpu.VMEM((T, E), jnp.float32),
            pltpu.VMEM((E,), jnp.int32),
            pltpu.VMEM((L,), jnp.int32),
        ),
    )(gate_logits)


_NBUF = 4
_KS = D // 2


def _moe_body(ids_ref, nact_ref, x_ref, wq_ref, be_ref, we_hbm,
              o_ref, bufs, sems):
    n = nact_ref[0]
    nchunks = 2 * n

    def _issue(c, slot, h):
        eid = ids_ref[c // 2]
        pltpu.make_async_copy(
            we_hbm.at[eid, pl.ds(h * _KS, _KS), :],
            bufs.at[slot],
            sems.at[slot],
        ).start()

    def _wait(slot, eid, h):
        pltpu.make_async_copy(
            we_hbm.at[eid, pl.ds(h * _KS, _KS), :],
            bufs.at[slot],
            sems.at[slot],
        ).wait()

    for c in range(_NBUF):
        @pl.when(c < nchunks)
        def _(c=c):
            _issue(c, c % _NBUF, c % 2)

    o_ref[...] = jnp.dot(
        wq_ref[...], be_ref[...], preferred_element_type=jnp.float32
    )

    ngroups = (nchunks + _NBUF - 1) // _NBUF

    def group_body(g, carry):
        base = g * _NBUF
        for e in range(_NBUF // 2):
            j = base // 2 + e
            col = (
                lax.broadcasted_iota(jnp.int32, (E, 1), 0) == ids_ref[j]
            ).astype(jnp.float32)
            w = jnp.dot(wq_ref[...], col, preferred_element_type=jnp.float32)
            y = None
            for h in range(2):
                c = base + 2 * e + h
                slot = 2 * e + h

                @pl.when(c < nchunks)
                def _(c=c, slot=slot, h=h):
                    _wait(slot, ids_ref[c // 2], h)

                part = jnp.dot(
                    x_ref[:, pl.ds(h * _KS, _KS)], bufs[slot],
                    preferred_element_type=jnp.float32,
                )
                y = part if y is None else y + part

                @pl.when(c + _NBUF < nchunks)
                def _(c=c, slot=slot, h=h):
                    _issue(c + _NBUF, slot, h)

            @pl.when(j < n)
            def _(y=y, w=w):
                o_ref[...] += y * w
        return carry

    lax.fori_loop(0, ngroups, group_body, jnp.int32(0))


def _moe(ids, nact, x, We, be, wq):
    grid_spec = pltpu.PrefetchScalarGridSpec(
        num_scalar_prefetch=2,
        grid=(1,),
        in_specs=[
            pl.BlockSpec((T, D), lambda i, ids, nn: (0, 0)),
            pl.BlockSpec((T, E), lambda i, ids, nn: (0, 0)),
            pl.BlockSpec((E, D), lambda i, ids, nn: (0, 0)),
            pl.BlockSpec(memory_space=pl.ANY),
        ],
        out_specs=pl.BlockSpec((T, D), lambda i, ids, nn: (0, 0)),
        scratch_shapes=[
            pltpu.VMEM((_NBUF, _KS, D), jnp.float32),
            pltpu.SemaphoreType.DMA((_NBUF,)),
        ],
    )
    return pl.pallas_call(
        _moe_body,
        grid_spec=grid_spec,
        out_shape=jax.ShapeDtypeStruct((T, D), jnp.float32),
        compiler_params=pltpu.CompilerParams(
            dimension_semantics=("arbitrary",)
        ),
    )(ids, nact, x, wq, be, We)


def kernel(inputs, Wg, bg, We, be, k):
    del k
    gate_logits = _gate(inputs, Wg, bg)
    ids, nact, wq = _route(gate_logits)
    return _moe(ids, nact, inputs, We, be, wq)

# --- scband reference (transcript-rebuilt; emitter-appended) ---
"""Pipeline reference for scband-mixture-of-experts-top-k-82411832476042 (READ-ONLY COPY).

The authoritative reference and input builder live on the scoring server;
editing this copy changes nothing except your own understanding.
"""

import jax, jax.numpy as jnp
import numpy as np

NUM_EXPERTS = 64
D_MODEL = 1024
TOKENS = 32

def setup_inputs(seed: int = 0) -> dict:
    key = jax.random.key(seed)
    ks = jax.random.split(key, 4)
    inputs = jax.random.normal(ks[0], (TOKENS, D_MODEL), dtype=jnp.float32)
    # gate: single linear layer d_model -> num_experts (stands in for loaded gate model)
    Wg = jax.random.normal(ks[1], (D_MODEL, NUM_EXPERTS), dtype=jnp.float32) * 0.02
    bg = jnp.zeros((NUM_EXPERTS,), dtype=jnp.float32)
    # experts: one linear layer d_model -> d_model per expert (stands in for loaded expert models)
    We = jax.random.normal(ks[2], (NUM_EXPERTS, D_MODEL, D_MODEL), dtype=jnp.float32) * 0.02
    be = jnp.zeros((NUM_EXPERTS, D_MODEL), dtype=jnp.float32)
    return {"inputs": inputs, "Wg": Wg, "bg": bg, "We": We, "be": be, "k": 2}

def reference(inputs, Wg, bg, We, be, k):
    # gate_logits = self.gate(inputs)
    K = 2
    k_zero = (jnp.asarray(k) - jnp.asarray(k)).astype(jnp.float32)
    gate_logits = inputs @ Wg + bg + k_zero  # [T, E]
    # top_k (sorted)
    top_k_values, top_k_indices = jax.lax.top_k(gate_logits, K)  # [T, k]
    # mask = reduce_any(one_hot(top_k_indices, depth=E), axis=1)
    mask = jnp.any(jax.nn.one_hot(top_k_indices, NUM_EXPERTS, dtype=jnp.float32) > 0, axis=1)  # [T, E] bool
    # all_expert_outputs = stack([expert(inputs) for expert in experts], axis=1)
    all_expert_outputs = jnp.einsum('td,edf->tef', inputs, We) + be[None, :, :]  # [T, E, D]
    # masked_expert_outputs = where(mask[..., None], all, 0)
    masked_expert_outputs = jnp.where(mask[:, :, None], all_expert_outputs, jnp.zeros_like(all_expert_outputs))
    # gate_weights = softmax(gate_logits, axis=1)
    gate_weights = jax.nn.softmax(gate_logits, axis=1)
    masked_gate_weights = jnp.where(mask, gate_weights, jnp.zeros_like(gate_weights))
    weighted = masked_expert_outputs * masked_gate_weights[:, :, None]
    aggregated_output = jnp.sum(weighted, axis=1)  # [T, D]
    return aggregated_output

if __name__ == "__main__":
    import jax
    _d = setup_inputs()
    print(jax.jit(kernel)(*tuple(_d.values())))

</pallas_src>

<mosaic_0001>
#map = affine_map<(d0, d1) -> (0, 0)>
#map1 = affine_map<(d0, d1) -> (0)>
module attributes {stable_mosaic.version = 14 : i64} {
  func.func @_route_body(%arg0: i32, %arg1: i32, %arg2: memref<32x64xf32, #tpu.memory_space<hbm>>, %arg3: memref<64xi32, #tpu.memory_space<hbm>>, %arg4: memref<16xi32, #tpu.memory_space<hbm>>, %arg5: memref<32x64xf32, #tpu.memory_space<hbm>>, %arg6: memref<2x64xf32, #tpu.memory_space<vmem>>, %arg7: memref<2x64xf32, #tpu.memory_space<vmem>>, %arg8: memref<32x64xf32, #tpu.memory_space<vmem>>, %arg9: memref<64xi32, #tpu.memory_space<vmem>>, %arg10: memref<16xi32, #tpu.memory_space<vmem>>) attributes {dimension_semantics = [#tpu.dimension_semantics<core_parallel>, #tpu.dimension_semantics<subcore_parallel>], iteration_bounds = array<i64: 2, 16>, scalar_prefetch = 0 : i64, scratch_operands = 5 : i64, tpu.core_type = #tpu.core_type<sc_vector_subcore>, window_params = [{transform_indices = #map}, {transform_indices = #map1}, {transform_indices = #map1}, {transform_indices = #map}]} {
    %eq3A = arith.constant 0 : i32
    %eq3A_0 = arith.cmpi eq, %arg0, %eq3A : i32
    %convert_element_type3A = arith.extui %eq3A_0 : i1 to i32
    %cond3A = arith.constant 0 : i32
    %cond3A_1 = arith.cmpi ne, %convert_element_type3A, %cond3A : i32
    scf.if %cond3A_1 {
      %iota3A = tpu.iota {dimensions = array<i32: 0>} : vector<16xi32>
      %add3A = arith.constant 0 : i32
      %add3A_2 = vector.broadcast %add3A : i32 to vector<16xi32>
      %add3A_3 = arith.addi %iota3A, %add3A_2 : vector<16xi32>
      %add3A_4 = arith.constant 16 : i32
      %add3A_5 = vector.broadcast %add3A_4 : i32 to vector<16xi32>
      %add3A_6 = arith.addi %iota3A, %add3A_5 : vector<16xi32>
      %add3A_7 = arith.constant 32 : i32
      %add3A_8 = vector.broadcast %add3A_7 : i32 to vector<16xi32>
      %add3A_9 = arith.addi %iota3A, %add3A_8 : vector<16xi32>
      %add3A_10 = arith.constant 48 : i32
      %add3A_11 = vector.broadcast %add3A_10 : i32 to vector<16xi32>
      %add3A_12 = arith.addi %iota3A, %add3A_11 : vector<16xi32>
      %mul3A = arith.constant 2 : i32
      %mul3A_13 = arith.muli %arg1, %mul3A : i32
      "tpu.region"() ({
        %run_scoped3A = tpu.sem_alloc : memref<!tpu.dma_semaphore, #tpu.memory_space<semaphore_mem>>
        %dma_start3A = arith.constant 0 : i32
        %dma_start3A_504 = tpu.memref_slice %arg2[%mul3A_13, %dma_start3A] : memref<32x64xf32, #tpu.memory_space<hbm>> -> memref<2x64xf32, #tpu.memory_space<hbm>>
        %dma_start3A_505 = arith.constant 0 : i32
        %dma_start3A_506 = tpu.memref_slice %arg2[%mul3A_13, %dma_start3A_505] : memref<32x64xf32, #tpu.memory_space<hbm>> -> memref<2x64xf32, #tpu.memory_space<hbm>>
        tpu.enqueue_dma source(%dma_start3A_506 : memref<2x64xf32, #tpu.memory_space<hbm>>) target(%arg6 : memref<2x64xf32, #tpu.memory_space<vmem>>) target_semaphore(%run_scoped3A : memref<!tpu.dma_semaphore, #tpu.memory_space<semaphore_mem>>)
        %dma_wait3A = arith.constant 0 : i32
        %dma_wait3A_507 = tpu.memref_slice %arg2[%mul3A_13, %dma_wait3A] : memref<32x64xf32, #tpu.memory_space<hbm>> -> memref<2x64xf32, #tpu.memory_space<hbm>>
        %dma_wait3A_508 = arith.constant 0 : i32
        %dma_wait3A_509 = tpu.memref_slice %arg2[%mul3A_13, %dma_wait3A_508] : memref<32x64xf32, #tpu.memory_space<hbm>> -> memref<2x64xf32, #tpu.memory_space<hbm>>
        tpu.wait_dma2 semaphore(%run_scoped3A : memref<!tpu.dma_semaphore, #tpu.memory_space<semaphore_mem>>) src(%dma_wait3A_509 : memref<2x64xf32, #tpu.memory_space<hbm>>) dst(%arg6 : memref<2x64xf32, #tpu.memory_space<vmem>>)
        tpu.yield
      }) : () -> ()
      %get3A = arith.constant 0 : i32
      %get3A_14 = arith.index_cast %get3A : i32 to index
      %get3A_15 = arith.constant 0 : index
      %get3A_16 = tpu.vector_load %arg6[%get3A_14, %get3A_15] {strides = array<i32>} : memref<2x64xf32, #tpu.memory_space<vmem>>, vector<16xf32>,
      %get3A_17 = arith.constant 0 : i32
      %get3A_18 = arith.index_cast %get3A_17 : i32 to index
      %get3A_19 = arith.constant 16 : index
      %get3A_20 = tpu.vector_load %arg6[%get3A_18, %get3A_19] {strides = array<i32>} : memref<2x64xf32, #tpu.memory_space<vmem>>, vector<16xf32>,
      %get3A_21 = arith.constant 0 : i32
      %get3A_22 = arith.index_cast %get3A_21 : i32 to index
      %get3A_23 = arith.constant 32 : index
      %get3A_24 = tpu.vector_load %arg6[%get3A_22, %get3A_23] {strides = array<i32>} : memref<2x64xf32, #tpu.memory_space<vmem>>, vector<16xf32>,
      %get3A_25 = arith.constant 0 : i32
      %get3A_26 = arith.index_cast %get3A_25 : i32 to index
      %get3A_27 = arith.constant 48 : index
      %get3A_28 = tpu.vector_load %arg6[%get3A_26, %get3A_27] {strides = array<i32>} : memref<2x64xf32, #tpu.memory_space<vmem>>, vector<16xf32>,
      %reduce_max3A = arith.constant true
      %reduce_max3A_29 = vector.broadcast %reduce_max3A : i1 to vector<16xi1>
      %reduce_max3A_30 = tpu.scan <max>, %get3A_16 masked %reduce_max3A_29 : vector<16xf32>, vector<16xi1> -> vector<16xf32>
      %reduce_max3A_31 = vector.extract %reduce_max3A_30[15] : f32 from vector<16xf32>
      %reduce_max3A_32 = arith.constant true
      %reduce_max3A_33 = vector.broadcast %reduce_max3A_32 : i1 to vector<16xi1>
      %reduce_max3A_34 = tpu.scan <max>, %get3A_20 masked %reduce_max3A_33 : vector<16xf32>, vector<16xi1> -> vector<16xf32>
      %reduce_max3A_35 = vector.extract %reduce_max3A_34[15] : f32 from vector<16xf32>
      %max3A = arith.maximumf %reduce_max3A_31, %reduce_max3A_35 : f32
      %reduce_max3A_36 = arith.constant true
      %reduce_max3A_37 = vector.broadcast %reduce_max3A_36 : i1 to vector<16xi1>
      %reduce_max3A_38 = tpu.scan <max>, %get3A_24 masked %reduce_max3A_37 : vector<16xf32>, vector<16xi1> -> vector<16xf32>
      %reduce_max3A_39 = vector.extract %reduce_max3A_38[15] : f32 from vector<16xf32>
      %max3A_40 = arith.maximumf %max3A, %reduce_max3A_39 : f32
      %reduce_max3A_41 = arith.constant true
      %reduce_max3A_42 = vector.broadcast %reduce_max3A_41 : i1 to vector<16xi1>
      %reduce_max3A_43 = tpu.scan <max>, %get3A_28 masked %reduce_max3A_42 : vector<16xf32>, vector<16xi1> -> vector<16xf32>
      %reduce_max3A_44 = vector.extract %reduce_max3A_43[15] : f32 from vector<16xf32>
      %max3A_45 = arith.maximumf %max3A_40, %reduce_max3A_44 : f32
      %broadcast_in_dim3A = vector.broadcast %max3A_45 : f32 to vector<16xf32>
      %sub3A = arith.subf %get3A_16, %broadcast_in_dim3A : vector<16xf32>
      %exp3A = math.exp %sub3A : vector<16xf32>
      %sub3A_46 = arith.subf %get3A_20, %broadcast_in_dim3A : vector<16xf32>
      %exp3A_47 = math.exp %sub3A_46 : vector<16xf32>
      %sub3A_48 = arith.subf %get3A_24, %broadcast_in_dim3A : vector<16xf32>
      %exp3A_49 = math.exp %sub3A_48 : vector<16xf32>
      %sub3A_50 = arith.subf %get3A_28, %broadcast_in_dim3A : vector<16xf32>
      %exp3A_51 = math.exp %sub3A_50 : vector<16xf32>
      %reduce_sum3A = arith.constant true
      %reduce_sum3A_52 = vector.broadcast %reduce_sum3A : i1 to vector<16xi1>
      %reduce_sum3A_53 = tpu.scan <sum>, %exp3A masked %reduce_sum3A_52 : vector<16xf32>, vector<16xi1> -> vector<16xf32>
      %reduce_sum3A_54 = vector.extract %reduce_sum3A_53[15] : f32 from vector<16xf32>
      %reduce_sum3A_55 = arith.constant true
      %reduce_sum3A_56 = vector.broadcast %reduce_sum3A_55 : i1 to vector<16xi1>
      %reduce_sum3A_57 = tpu.scan <sum>, %exp3A_47 masked %reduce_sum3A_56 : vector<16xf32>, vector<16xi1> -> vector<16xf32>
      %reduce_sum3A_58 = vector.extract %reduce_sum3A_57[15] : f32 from vector<16xf32>
      %add3A_59 = arith.addf %reduce_sum3A_54, %reduce_sum3A_58 : f32
      %reduce_sum3A_60 = arith.constant true
      %reduce_sum3A_61 = vector.broadcast %reduce_sum3A_60 : i1 to vector<16xi1>
      %reduce_sum3A_62 = tpu.scan <sum>, %exp3A_49 masked %reduce_sum3A_61 : vector<16xf32>, vector<16xi1> -> vector<16xf32>
      %reduce_sum3A_63 = vector.extract %reduce_sum3A_62[15] : f32 from vector<16xf32>
      %add3A_64 = arith.addf %add3A_59, %reduce_sum3A_63 : f32
      %reduce_sum3A_65 = arith.constant true
      %reduce_sum3A_66 = vector.broadcast %reduce_sum3A_65 : i1 to vector<16xi1>
      %reduce_sum3A_67 = tpu.scan <sum>, %exp3A_51 masked %reduce_sum3A_66 : vector<16xf32>, vector<16xi1> -> vector<16xf32>
      %reduce_sum3A_68 = vector.extract %reduce_sum3A_67[15] : f32 from vector<16xf32>
      %add3A_69 = arith.addf %add3A_64, %reduce_sum3A_68 : f32
      %broadcast_in_dim3A_70 = vector.broadcast %add3A_69 : f32 to vector<16xf32>
      %eq3A_71 = arith.cmpf oeq, %get3A_16, %broadcast_in_dim3A : vector<16xf32>
      %broadcast_in_dim3A_72 = arith.constant 9999 : i32
      %broadcast_in_dim3A_73 = vector.broadcast %broadcast_in_dim3A_72 : i32 to vector<16xi32>
      %select_n3A = arith.select %eq3A_71, %add3A_3, %broadcast_in_dim3A_73 : vector<16xi1>, vector<16xi32>
      %reduce_min3A = arith.constant true
      %reduce_min3A_74 = vector.broadcast %reduce_min3A : i1 to vector<16xi1>
      %reduce_min3A_75 = arith.constant -2147483648 : i32
      %reduce_min3A_76 = vector.broadcast %reduce_min3A_75 : i32 to vector<16xi32>
      %reduce_min3A_77 = arith.xori %select_n3A, %reduce_min3A_76 : vector<16xi32>
      %reduce_min3A_78 = tpu.scan <min>, %reduce_min3A_77 masked %reduce_min3A_74 : vector<16xi32>, vector<16xi1> -> vector<16xi32>
      %reduce_min3A_79 = arith.xori %reduce_min3A_78, %reduce_min3A_76 : vector<16xi32>
      %reduce_min3A_80 = vector.extract %reduce_min3A_79[15] : i32 from vector<16xi32>
      %eq3A_81 = arith.cmpf oeq, %get3A_20, %broadcast_in_dim3A : vector<16xf32>
      %broadcast_in_dim3A_82 = arith.constant 9999 : i32
      %broadcast_in_dim3A_83 = vector.broadcast %broadcast_in_dim3A_82 : i32 to vector<16xi32>
      %select_n3A_84 = arith.select %eq3A_81, %add3A_6, %broadcast_in_dim3A_83 : vector<16xi1>, vector<16xi32>
      %reduce_min3A_85 = arith.constant true
      %reduce_min3A_86 = vector.broadcast %reduce_min3A_85 : i1 to vector<16xi1>
      %reduce_min3A_87 = arith.constant -2147483648 : i32
      %reduce_min3A_88 = vector.broadcast %reduce_min3A_87 : i32 to vector<16xi32>
      %reduce_min3A_89 = arith.xori %select_n3A_84, %reduce_min3A_88 : vector<16xi32>
      %reduce_min3A_90 = tpu.scan <min>, %reduce_min3A_89 masked %reduce_min3A_86 : vector<16xi32>, vector<16xi1> -> vector<16xi32>
      %reduce_min3A_91 = arith.xori %reduce_min3A_90, %reduce_min3A_88 : vector<16xi32>
      %reduce_min3A_92 = vector.extract %reduce_min3A_91[15] : i32 from vector<16xi32>
      %min3A = arith.minsi %reduce_min3A_80, %reduce_min3A_92 : i32
      %eq3A_93 = arith.cmpf oeq, %get3A_24, %broadcast_in_dim3A : vector<16xf32>
      %broadcast_in_dim3A_94 = arith.constant 9999 : i32
      %broadcast_in_dim3A_95 = vector.broadcast %broadcast_in_dim3A_94 : i32 to vector<16xi32>
      %select_n3A_96 = arith.select %eq3A_93, %add3A_9, %broadcast_in_dim3A_95 : vector<16xi1>, vector<16xi32>
      %reduce_min3A_97 = arith.constant true
      %reduce_min3A_98 = vector.broadcast %reduce_min3A_97 : i1 to vector<16xi1>
      %reduce_min3A_99 = arith.constant -2147483648 : i32
      %reduce_min3A_100 = vector.broadcast %reduce_min3A_99 : i32 to vector<16xi32>
      %reduce_min3A_101 = arith.xori %select_n3A_96, %reduce_min3A_100 : vector<16xi32>
      %reduce_min3A_102 = tpu.scan <min>, %reduce_min3A_101 masked %reduce_min3A_98 : vector<16xi32>, vector<16xi1> -> vector<16xi32>
      %reduce_min3A_103 = arith.xori %reduce_min3A_102, %reduce_min3A_100 : vector<16xi32>
      %reduce_min3A_104 = vector.extract %reduce_min3A_103[15] : i32 from vector<16xi32>
      %min3A_105 = arith.minsi %min3A, %reduce_min3A_104 : i32
      %eq3A_106 = arith.cmpf oeq, %get3A_28, %broadcast_in_dim3A : vector<16xf32>
      %broadcast_in_dim3A_107 = arith.constant 9999 : i32
      %broadcast_in_dim3A_108 = vector.broadcast %broadcast_in_dim3A_107 : i32 to vector<16xi32>
      %select_n3A_109 = arith.select %eq3A_106, %add3A_12, %broadcast_in_dim3A_108 : vector<16xi1>, vector<16xi32>
      %reduce_min3A_110 = arith.constant true
      %reduce_min3A_111 = vector.broadcast %reduce_min3A_110 : i1 to vector<16xi1>
      %reduce_min3A_112 = arith.constant -2147483648 : i32
      %reduce_min3A_113 = vector.broadcast %reduce_min3A_112 : i32 to vector<16xi32>
      %reduce_min3A_114 = arith.xori %select_n3A_109, %reduce_min3A_113 : vector<16xi32>
      %reduce_min3A_115 = tpu.scan <min>, %reduce_min3A_114 masked %reduce_min3A_111 : vector<16xi32>, vector<16xi1> -> vector<16xi32>
      %reduce_min3A_116 = arith.xori %reduce_min3A_115, %reduce_min3A_113 : vector<16xi32>
      %reduce_min3A_117 = vector.extract %reduce_min3A_116[15] : i32 from vector<16xi32>
      %min3A_118 = arith.minsi %min3A_105, %reduce_min3A_117 : i32
      %broadcast_in_dim3A_119 = vector.broadcast %min3A_118 : i32 to vector<16xi32>
      %eq3A_120 = arith.cmpi eq, %add3A_3, %broadcast_in_dim3A_119 : vector<16xi32>
      %broadcast_in_dim3A_121 = arith.constant -1.000000e+30 : f32
      %broadcast_in_dim3A_122 = vector.broadcast %broadcast_in_dim3A_121 : f32 to vector<16xf32>
      %select_n3A_123 = arith.select %eq3A_120, %broadcast_in_dim3A_122, %get3A_16 : vector<16xi1>, vector<16xf32>
      %eq3A_124 = arith.cmpi eq, %add3A_6, %broadcast_in_dim3A_119 : vector<16xi32>
      %broadcast_in_dim3A_125 = arith.constant -1.000000e+30 : f32
      %broadcast_in_dim3A_126 = vector.broadcast %broadcast_in_dim3A_125 : f32 to vector<16xf32>
      %select_n3A_127 = arith.select %eq3A_124, %broadcast_in_dim3A_126, %get3A_20 : vector<16xi1>, vector<16xf32>
      %eq3A_128 = arith.cmpi eq, %add3A_9, %broadcast_in_dim3A_119 : vector<16xi32>
      %broadcast_in_dim3A_129 = arith.constant -1.000000e+30 : f32
      %broadcast_in_dim3A_130 = vector.broadcast %broadcast_in_dim3A_129 : f32 to vector<16xf32>
      %select_n3A_131 = arith.select %eq3A_128, %broadcast_in_dim3A_130, %get3A_24 : vector<16xi1>, vector<16xf32>
      %eq3A_132 = arith.cmpi eq, %add3A_12, %broadcast_in_dim3A_119 : vector<16xi32>
      %broadcast_in_dim3A_133 = arith.constant -1.000000e+30 : f32
      %broadcast_in_dim3A_134 = vector.broadcast %broadcast_in_dim3A_133 : f32 to vector<16xf32>
      %select_n3A_135 = arith.select %eq3A_132, %broadcast_in_dim3A_134, %get3A_28 : vector<16xi1>, vector<16xf32>
      %reduce_max3A_136 = arith.constant true
      %reduce_max3A_137 = vector.broadcast %reduce_max3A_136 : i1 to vector<16xi1>
      %reduce_max3A_138 = tpu.scan <max>, %select_n3A_123 masked %reduce_max3A_137 : vector<16xf32>, vector<16xi1> -> vector<16xf32>
      %reduce_max3A_139 = vector.extract %reduce_max3A_138[15] : f32 from vector<16xf32>
      %reduce_max3A_140 = arith.constant true
      %reduce_max3A_141 = vector.broadcast %reduce_max3A_140 : i1 to vector<16xi1>
      %reduce_max3A_142 = tpu.scan <max>, %select_n3A_127 masked %reduce_max3A_141 : vector<16xf32>, vector<16xi1> -> vector<16xf32>
      %reduce_max3A_143 = vector.extract %reduce_max3A_142[15] : f32 from vector<16xf32>
      %max3A_144 = arith.maximumf %reduce_max3A_139, %reduce_max3A_143 : f32
      %reduce_max3A_145 = arith.constant true
      %reduce_max3A_146 = vector.broadcast %reduce_max3A_145 : i1 to vector<16xi1>
      %reduce_max3A_147 = tpu.scan <max>, %select_n3A_131 masked %reduce_max3A_146 : vector<16xf32>, vector<16xi1> -> vector<16xf32>
      %reduce_max3A_148 = vector.extract %reduce_max3A_147[15] : f32 from vector<16xf32>
      %max3A_149 = arith.maximumf %max3A_144, %reduce_max3A_148 : f32
      %reduce_max3A_150 = arith.constant true
      %reduce_max3A_151 = vector.broadcast %reduce_max3A_150 : i1 to vector<16xi1>
      %reduce_max3A_152 = tpu.scan <max>, %select_n3A_135 masked %reduce_max3A_151 : vector<16xf32>, vector<16xi1> -> vector<16xf32>
      %reduce_max3A_153 = vector.extract %reduce_max3A_152[15] : f32 from vector<16xf32>
      %max3A_154 = arith.maximumf %max3A_149, %reduce_max3A_153 : f32
      %broadcast_in_dim3A_155 = vector.broadcast %max3A_154 : f32 to vector<16xf32>
      %eq3A_156 = arith.cmpf oeq, %select_n3A_123, %broadcast_in_dim3A_155 : vector<16xf32>
      %broadcast_in_dim3A_157 = arith.constant 9999 : i32
      %broadcast_in_dim3A_158 = vector.broadcast %broadcast_in_dim3A_157 : i32 to vector<16xi32>
      %select_n3A_159 = arith.select %eq3A_156, %add3A_3, %broadcast_in_dim3A_158 : vector<16xi1>, vector<16xi32>
      %reduce_min3A_160 = arith.constant true
      %reduce_min3A_161 = vector.broadcast %reduce_min3A_160 : i1 to vector<16xi1>
      %reduce_min3A_162 = arith.constant -2147483648 : i32
      %reduce_min3A_163 = vector.broadcast %reduce_min3A_162 : i32 to vector<16xi32>
      %reduce_min3A_164 = arith.xori %select_n3A_159, %reduce_min3A_163 : vector<16xi32>
      %reduce_min3A_165 = tpu.scan <min>, %reduce_min3A_164 masked %reduce_min3A_161 : vector<16xi32>, vector<16xi1> -> vector<16xi32>
      %reduce_min3A_166 = arith.xori %reduce_min3A_165, %reduce_min3A_163 : vector<16xi32>
      %reduce_min3A_167 = vector.extract %reduce_min3A_166[15] : i32 from vector<16xi32>
      %eq3A_168 = arith.cmpf oeq, %select_n3A_127, %broadcast_in_dim3A_155 : vector<16xf32>
      %broadcast_in_dim3A_169 = arith.constant 9999 : i32
      %broadcast_in_dim3A_170 = vector.broadcast %broadcast_in_dim3A_169 : i32 to vector<16xi32>
      %select_n3A_171 = arith.select %eq3A_168, %add3A_6, %broadcast_in_dim3A_170 : vector<16xi1>, vector<16xi32>
      %reduce_min3A_172 = arith.constant true
      %reduce_min3A_173 = vector.broadcast %reduce_min3A_172 : i1 to vector<16xi1>
      %reduce_min3A_174 = arith.constant -2147483648 : i32
      %reduce_min3A_175 = vector.broadcast %reduce_min3A_174 : i32 to vector<16xi32>
      %reduce_min3A_176 = arith.xori %select_n3A_171, %reduce_min3A_175 : vector<16xi32>
      %reduce_min3A_177 = tpu.scan <min>, %reduce_min3A_176 masked %reduce_min3A_173 : vector<16xi32>, vector<16xi1> -> vector<16xi32>
      %reduce_min3A_178 = arith.xori %reduce_min3A_177, %reduce_min3A_175 : vector<16xi32>
      %reduce_min3A_179 = vector.extract %reduce_min3A_178[15] : i32 from vector<16xi32>
      %min3A_180 = arith.minsi %reduce_min3A_167, %reduce_min3A_179 : i32
      %eq3A_181 = arith.cmpf oeq, %select_n3A_131, %broadcast_in_dim3A_155 : vector<16xf32>
      %broadcast_in_dim3A_182 = arith.constant 9999 : i32
      %broadcast_in_dim3A_183 = vector.broadcast %broadcast_in_dim3A_182 : i32 to vector<16xi32>
      %select_n3A_184 = arith.select %eq3A_181, %add3A_9, %broadcast_in_dim3A_183 : vector<16xi1>, vector<16xi32>
      %reduce_min3A_185 = arith.constant true
      %reduce_min3A_186 = vector.broadcast %reduce_min3A_185 : i1 to vector<16xi1>
      %reduce_min3A_187 = arith.constant -2147483648 : i32
      %reduce_min3A_188 = vector.broadcast %reduce_min3A_187 : i32 to vector<16xi32>
      %reduce_min3A_189 = arith.xori %select_n3A_184, %reduce_min3A_188 : vector<16xi32>
      %reduce_min3A_190 = tpu.scan <min>, %reduce_min3A_189 masked %reduce_min3A_186 : vector<16xi32>, vector<16xi1> -> vector<16xi32>
      %reduce_min3A_191 = arith.xori %reduce_min3A_190, %reduce_min3A_188 : vector<16xi32>
      %reduce_min3A_192 = vector.extract %reduce_min3A_191[15] : i32 from vector<16xi32>
      %min3A_193 = arith.minsi %min3A_180, %reduce_min3A_192 : i32
      %eq3A_194 = arith.cmpf oeq, %select_n3A_135, %broadcast_in_dim3A_155 : vector<16xf32>
      %broadcast_in_dim3A_195 = arith.constant 9999 : i32
      %broadcast_in_dim3A_196 = vector.broadcast %broadcast_in_dim3A_195 : i32 to vector<16xi32>
      %select_n3A_197 = arith.select %eq3A_194, %add3A_12, %broadcast_in_dim3A_196 : vector<16xi1>, vector<16xi32>
      %reduce_min3A_198 = arith.constant true
      %reduce_min3A_199 = vector.broadcast %reduce_min3A_198 : i1 to vector<16xi1>
      %reduce_min3A_200 = arith.constant -2147483648 : i32
      %reduce_min3A_201 = vector.broadcast %reduce_min3A_200 : i32 to vector<16xi32>
      %reduce_min3A_202 = arith.xori %select_n3A_197, %reduce_min3A_201 : vector<16xi32>
      %reduce_min3A_203 = tpu.scan <min>, %reduce_min3A_202 masked %reduce_min3A_199 : vector<16xi32>, vector<16xi1> -> vector<16xi32>
      %reduce_min3A_204 = arith.xori %reduce_min3A_203, %reduce_min3A_201 : vector<16xi32>
      %reduce_min3A_205 = vector.extract %reduce_min3A_204[15] : i32 from vector<16xi32>
      %min3A_206 = arith.minsi %min3A_193, %reduce_min3A_205 : i32
      %broadcast_in_dim3A_207 = vector.broadcast %min3A_206 : i32 to vector<16xi32>
      %eq3A_208 = arith.cmpi eq, %add3A_3, %broadcast_in_dim3A_119 : vector<16xi32>
      %eq3A_209 = arith.cmpi eq, %add3A_3, %broadcast_in_dim3A_207 : vector<16xi32>
      %or3A = arith.ori %eq3A_208, %eq3A_209 : vector<16xi1>
      %div3A = arith.divf %exp3A, %broadcast_in_dim3A_70 : vector<16xf32>
      %broadcast_in_dim3A_210 = arith.constant 0.000000e+00 : f32
      %broadcast_in_dim3A_211 = vector.broadcast %broadcast_in_dim3A_210 : f32 to vector<16xf32>
      %select_n3A_212 = arith.select %or3A, %div3A, %broadcast_in_dim3A_211 : vector<16xi1>, vector<16xf32>
      %swap3A = arith.constant 0 : i32
      %swap3A_213 = arith.index_cast %swap3A : i32 to index
      %swap3A_214 = arith.constant 0 : index
      %swap3A_215 = tpu.vector_load %arg7[%swap3A_213, %swap3A_214] {strides = array<i32>} : memref<2x64xf32, #tpu.memory_space<vmem>>, vector<16xf32>,
      tpu.vector_store %arg7[%swap3A_213, %swap3A_214], %select_n3A_212 {strides = array<i32>} : memref<2x64xf32, #tpu.memory_space<vmem>>, vector<16xf32>,
      %eq3A_216 = arith.cmpi eq, %add3A_6, %broadcast_in_dim3A_119 : vector<16xi32>
      %eq3A_217 = arith.cmpi eq, %add3A_6, %broadcast_in_dim3A_207 : vector<16xi32>
      %or3A_218 = arith.ori %eq3A_216, %eq3A_217 : vector<16xi1>
      %div3A_219 = arith.divf %exp3A_47, %broadcast_in_dim3A_70 : vector<16xf32>
      %broadcast_in_dim3A_220 = arith.constant 0.000000e+00 : f32
      %broadcast_in_dim3A_221 = vector.broadcast %broadcast_in_dim3A_220 : f32 to vector<16xf32>
      %select_n3A_222 = arith.select %or3A_218, %div3A_219, %broadcast_in_dim3A_221 : vector<16xi1>, vector<16xf32>
      %swap3A_223 = arith.constant 0 : i32
      %swap3A_224 = arith.index_cast %swap3A_223 : i32 to index
      %swap3A_225 = arith.constant 16 : index
      %swap3A_226 = tpu.vector_load %arg7[%swap3A_224, %swap3A_225] {strides = array<i32>} : memref<2x64xf32, #tpu.memory_space<vmem>>, vector<16xf32>,
      tpu.vector_store %arg7[%swap3A_224, %swap3A_225], %select_n3A_222 {strides = array<i32>} : memref<2x64xf32, #tpu.memory_space<vmem>>, vector<16xf32>,
      %eq3A_227 = arith.cmpi eq, %add3A_9, %broadcast_in_dim3A_119 : vector<16xi32>
      %eq3A_228 = arith.cmpi eq, %add3A_9, %broadcast_in_dim3A_207 : vector<16xi32>
      %or3A_229 = arith.ori %eq3A_227, %eq3A_228 : vector<16xi1>
      %div3A_230 = arith.divf %exp3A_49, %broadcast_in_dim3A_70 : vector<16xf32>
      %broadcast_in_dim3A_231 = arith.constant 0.000000e+00 : f32
      %broadcast_in_dim3A_232 = vector.broadcast %broadcast_in_dim3A_231 : f32 to vector<16xf32>
      %select_n3A_233 = arith.select %or3A_229, %div3A_230, %broadcast_in_dim3A_232 : vector<16xi1>, vector<16xf32>
      %swap3A_234 = arith.constant 0 : i32
      %swap3A_235 = arith.index_cast %swap3A_234 : i32 to index
      %swap3A_236 = arith.constant 32 : index
      %swap3A_237 = tpu.vector_load %arg7[%swap3A_235, %swap3A_236] {strides = array<i32>} : memref<2x64xf32, #tpu.memory_space<vmem>>, vector<16xf32>,
      tpu.vector_store %arg7[%swap3A_235, %swap3A_236], %select_n3A_233 {strides = array<i32>} : memref<2x64xf32, #tpu.memory_space<vmem>>, vector<16xf32>,
      %eq3A_238 = arith.cmpi eq, %add3A_12, %broadcast_in_dim3A_119 : vector<16xi32>
      %eq3A_239 = arith.cmpi eq, %add3A_12, %broadcast_in_dim3A_207 : vector<16xi32>
      %or3A_240 = arith.ori %eq3A_238, %eq3A_239 : vector<16xi1>
      %div3A_241 = arith.divf %exp3A_51, %broadcast_in_dim3A_70 : vector<16xf32>
      %broadcast_in_dim3A_242 = arith.constant 0.000000e+00 : f32
      %broadcast_in_dim3A_243 = vector.broadcast %broadcast_in_dim3A_242 : f32 to vector<16xf32>
      %select_n3A_244 = arith.select %or3A_240, %div3A_241, %broadcast_in_dim3A_243 : vector<16xi1>, vector<16xf32>
      %swap3A_245 = arith.constant 0 : i32
      %swap3A_246 = arith.index_cast %swap3A_245 : i32 to index
      %swap3A_247 = arith.constant 48 : index
      %swap3A_248 = tpu.vector_load %arg7[%swap3A_246, %swap3A_247] {strides = array<i32>} : memref<2x64xf32, #tpu.memory_space<vmem>>, vector<16xf32>,
      tpu.vector_store %arg7[%swap3A_246, %swap3A_247], %select_n3A_244 {strides = array<i32>} : memref<2x64xf32, #tpu.memory_space<vmem>>, vector<16xf32>,
      %get3A_249 = arith.constant 1 : i32
      %get3A_250 = arith.index_cast %get3A_249 : i32 to index
      %get3A_251 = arith.constant 0 : index
      %get3A_252 = tpu.vector_load %arg6[%get3A_250, %get3A_251] {strides = array<i32>} : memref<2x64xf32, #tpu.memory_space<vmem>>, vector<16xf32>,
      %get3A_253 = arith.constant 1 : i32
      %get3A_254 = arith.index_cast %get3A_253 : i32 to index
      %get3A_255 = arith.constant 16 : index
      %get3A_256 = tpu.vector_load %arg6[%get3A_254, %get3A_255] {strides = array<i32>} : memref<2x64xf32, #tpu.memory_space<vmem>>, vector<16xf32>,
      %get3A_257 = arith.constant 1 : i32
      %get3A_258 = arith.index_cast %get3A_257 : i32 to index
      %get3A_259 = arith.constant 32 : index
      %get3A_260 = tpu.vector_load %arg6[%get3A_258, %get3A_259] {strides = array<i32>} : memref<2x64xf32, #tpu.memory_space<vmem>>, vector<16xf32>,
      %get3A_261 = arith.constant 1 : i32
      %get3A_262 = arith.index_cast %get3A_261 : i32 to index
      %get3A_263 = arith.constant 48 : index
      %get3A_264 = tpu.vector_load %arg6[%get3A_262, %get3A_263] {strides = array<i32>} : memref<2x64xf32, #tpu.memory_space<vmem>>, vector<16xf32>,
      %reduce_max3A_265 = arith.constant true
      %reduce_max3A_266 = vector.broadcast %reduce_max3A_265 : i1 to vector<16xi1>
      %reduce_max3A_267 = tpu.scan <max>, %get3A_252 masked %reduce_max3A_266 : vector<16xf32>, vector<16xi1> -> vector<16xf32>
      %reduce_max3A_268 = vector.extract %reduce_max3A_267[15] : f32 from vector<16xf32>
      %reduce_max3A_269 = arith.constant true
      %reduce_max3A_270 = vector.broadcast %reduce_max3A_269 : i1 to vector<16xi1>
      %reduce_max3A_271 = tpu.scan <max>, %get3A_256 masked %reduce_max3A_270 : vector<16xf32>, vector<16xi1> -> vector<16xf32>
      %reduce_max3A_272 = vector.extract %reduce_max3A_271[15] : f32 from vector<16xf32>
      %max3A_273 = arith.maximumf %reduce_max3A_268, %reduce_max3A_272 : f32
      %reduce_max3A_274 = arith.constant true
      %reduce_max3A_275 = vector.broadcast %reduce_max3A_274 : i1 to vector<16xi1>
      %reduce_max3A_276 = tpu.scan <max>, %get3A_260 masked %reduce_max3A_275 : vector<16xf32>, vector<16xi1> -> vector<16xf32>
      %reduce_max3A_277 = vector.extract %reduce_max3A_276[15] : f32 from vector<16xf32>
      %max3A_278 = arith.maximumf %max3A_273, %reduce_max3A_277 : f32
      %reduce_max3A_279 = arith.constant true
      %reduce_max3A_280 = vector.broadcast %reduce_max3A_279 : i1 to vector<16xi1>
      %reduce_max3A_281 = tpu.scan <max>, %get3A_264 masked %reduce_max3A_280 : vector<16xf32>, vector<16xi1> -> vector<16xf32>
      %reduce_max3A_282 = vector.extract %reduce_max3A_281[15] : f32 from vector<16xf32>
      %max3A_283 = arith.maximumf %max3A_278, %reduce_max3A_282 : f32
      %broadcast_in_dim3A_284 = vector.broadcast %max3A_283 : f32 to vector<16xf32>
      %sub3A_285 = arith.subf %get3A_252, %broadcast_in_dim3A_284 : vector<16xf32>
      %exp3A_286 = math.exp %sub3A_285 : vector<16xf32>
      %sub3A_287 = arith.subf %get3A_256, %broadcast_in_dim3A_284 : vector<16xf32>
      %exp3A_288 = math.exp %sub3A_287 : vector<16xf32>
      %sub3A_289 = arith.subf %get3A_260, %broadcast_in_dim3A_284 : vector<16xf32>
      %exp3A_290 = math.exp %sub3A_289 : vector<16xf32>
      %sub3A_291 = arith.subf %get3A_264, %broadcast_in_dim3A_284 : vector<16xf32>
      %exp3A_292 = math.exp %sub3A_291 : vector<16xf32>
      %reduce_sum3A_293 = arith.constant true
      %reduce_sum3A_294 = vector.broadcast %reduce_sum3A_293 : i1 to vector<16xi1>
      %reduce_sum3A_295 = tpu.scan <sum>, %exp3A_286 masked %reduce_sum3A_294 : vector<16xf32>, vector<16xi1> -> vector<16xf32>
      %reduce_sum3A_296 = vector.extract %reduce_sum3A_295[15] : f32 from vector<16xf32>
      %reduce_sum3A_297 = arith.constant true
      %reduce_sum3A_298 = vector.broadcast %reduce_sum3A_297 : i1 to vector<16xi1>
      %reduce_sum3A_299 = tpu.scan <sum>, %exp3A_288 masked %reduce_sum3A_298 : vector<16xf32>, vector<16xi1> -> vector<16xf32>
      %reduce_sum3A_300 = vector.extract %reduce_sum3A_299[15] : f32 from vector<16xf32>
      %add3A_301 = arith.addf %reduce_sum3A_296, %reduce_sum3A_300 : f32
      %reduce_sum3A_302 = arith.constant true
      %reduce_sum3A_303 = vector.broadcast %reduce_sum3A_302 : i1 to vector<16xi1>
      %reduce_sum3A_304 = tpu.scan <sum>, %exp3A_290 masked %reduce_sum3A_303 : vector<16xf32>, vector<16xi1> -> vector<16xf32>
      %reduce_sum3A_305 = vector.extract %reduce_sum3A_304[15] : f32 from vector<16xf32>
      %add3A_306 = arith.addf %add3A_301, %reduce_sum3A_305 : f32
      %reduce_sum3A_307 = arith.constant true
      %reduce_sum3A_308 = vector.broadcast %reduce_sum3A_307 : i1 to vector<16xi1>
      %reduce_sum3A_309 = tpu.scan <sum>, %exp3A_292 masked %reduce_sum3A_308 : vector<16xf32>, vector<16xi1> -> vector<16xf32>
      %reduce_sum3A_310 = vector.extract %reduce_sum3A_309[15] : f32 from vector<16xf32>
      %add3A_311 = arith.addf %add3A_306, %reduce_sum3A_310 : f32
      %broadcast_in_dim3A_312 = vector.broadcast %add3A_311 : f32 to vector<16xf32>
      %eq3A_313 = arith.cmpf oeq, %get3A_252, %broadcast_in_dim3A_284 : vector<16xf32>
      %broadcast_in_dim3A_314 = arith.constant 9999 : i32
      %broadcast_in_dim3A_315 = vector.broadcast %broadcast_in_dim3A_314 : i32 to vector<16xi32>
      %select_n3A_316 = arith.select %eq3A_313, %add3A_3, %broadcast_in_dim3A_315 : vector<16xi1>, vector<16xi32>
      %reduce_min3A_317 = arith.constant true
      %reduce_min3A_318 = vector.broadcast %reduce_min3A_317 : i1 to vector<16xi1>
      %reduce_min3A_319 = arith.constant -2147483648 : i32
      %reduce_min3A_320 = vector.broadcast %reduce_min3A_319 : i32 to vector<16xi32>
      %reduce_min3A_321 = arith.xori %select_n3A_316, %reduce_min3A_320 : vector<16xi32>
      %reduce_min3A_322 = tpu.scan <min>, %reduce_min3A_321 masked %reduce_min3A_318 : vector<16xi32>, vector<16xi1> -> vector<16xi32>
      %reduce_min3A_323 = arith.xori %reduce_min3A_322, %reduce_min3A_320 : vector<16xi32>
      %reduce_min3A_324 = vector.extract %reduce_min3A_323[15] : i32 from vector<16xi32>
      %eq3A_325 = arith.cmpf oeq, %get3A_256, %broadcast_in_dim3A_284 : vector<16xf32>
      %broadcast_in_dim3A_326 = arith.constant 9999 : i32
      %broadcast_in_dim3A_327 = vector.broadcast %broadcast_in_dim3A_326 : i32 to vector<16xi32>
      %select_n3A_328 = arith.select %eq3A_325, %add3A_6, %broadcast_in_dim3A_327 : vector<16xi1>, vector<16xi32>
      %reduce_min3A_329 = arith.constant true
      %reduce_min3A_330 = vector.broadcast %reduce_min3A_329 : i1 to vector<16xi1>
      %reduce_min3A_331 = arith.constant -2147483648 : i32
      %reduce_min3A_332 = vector.broadcast %reduce_min3A_331 : i32 to vector<16xi32>
      %reduce_min3A_333 = arith.xori %select_n3A_328, %reduce_min3A_332 : vector<16xi32>
      %reduce_min3A_334 = tpu.scan <min>, %reduce_min3A_333 masked %reduce_min3A_330 : vector<16xi32>, vector<16xi1> -> vector<16xi32>
      %reduce_min3A_335 = arith.xori %reduce_min3A_334, %reduce_min3A_332 : vector<16xi32>
      %reduce_min3A_336 = vector.extract %reduce_min3A_335[15] : i32 from vector<16xi32>
      %min3A_337 = arith.minsi %reduce_min3A_324, %reduce_min3A_336 : i32
      %eq3A_338 = arith.cmpf oeq, %get3A_260, %broadcast_in_dim3A_284 : vector<16xf32>
      %broadcast_in_dim3A_339 = arith.constant 9999 : i32
      %broadcast_in_dim3A_340 = vector.broadcast %broadcast_in_dim3A_339 : i32 to vector<16xi32>
      %select_n3A_341 = arith.select %eq3A_338, %add3A_9, %broadcast_in_dim3A_340 : vector<16xi1>, vector<16xi32>
      %reduce_min3A_342 = arith.constant true
      %reduce_min3A_343 = vector.broadcast %reduce_min3A_342 : i1 to vector<16xi1>
      %reduce_min3A_344 = arith.constant -2147483648 : i32
      %reduce_min3A_345 = vector.broadcast %reduce_min3A_344 : i32 to vector<16xi32>
      %reduce_min3A_346 = arith.xori %select_n3A_341, %reduce_min3A_345 : vector<16xi32>
      %reduce_min3A_347 = tpu.scan <min>, %reduce_min3A_346 masked %reduce_min3A_343 : vector<16xi32>, vector<16xi1> -> vector<16xi32>
      %reduce_min3A_348 = arith.xori %reduce_min3A_347, %reduce_min3A_345 : vector<16xi32>
      %reduce_min3A_349 = vector.extract %reduce_min3A_348[15] : i32 from vector<16xi32>
      %min3A_350 = arith.minsi %min3A_337, %reduce_min3A_349 : i32
      %eq3A_351 = arith.cmpf oeq, %get3A_264, %broadcast_in_dim3A_284 : vector<16xf32>
      %broadcast_in_dim3A_352 = arith.constant 9999 : i32
      %broadcast_in_dim3A_353 = vector.broadcast %broadcast_in_dim3A_352 : i32 to vector<16xi32>
      %select_n3A_354 = arith.select %eq3A_351, %add3A_12, %broadcast_in_dim3A_353 : vector<16xi1>, vector<16xi32>
      %reduce_min3A_355 = arith.constant true
      %reduce_min3A_356 = vector.broadcast %reduce_min3A_355 : i1 to vector<16xi1>
      %reduce_min3A_357 = arith.constant -2147483648 : i32
      %reduce_min3A_358 = vector.broadcast %reduce_min3A_357 : i32 to vector<16xi32>
      %reduce_min3A_359 = arith.xori %select_n3A_354, %reduce_min3A_358 : vector<16xi32>
      %reduce_min3A_360 = tpu.scan <min>, %reduce_min3A_359 masked %reduce_min3A_356 : vector<16xi32>, vector<16xi1> -> vector<16xi32>
      %reduce_min3A_361 = arith.xori %reduce_min3A_360, %reduce_min3A_358 : vector<16xi32>
      %reduce_min3A_362 = vector.extract %reduce_min3A_361[15] : i32 from vector<16xi32>
      %min3A_363 = arith.minsi %min3A_350, %reduce_min3A_362 : i32
      %broadcast_in_dim3A_364 = vector.broadcast %min3A_363 : i32 to vector<16xi32>
      %eq3A_365 = arith.cmpi eq, %add3A_3, %broadcast_in_dim3A_364 : vector<16xi32>
      %broadcast_in_dim3A_366 = arith.constant -1.000000e+30 : f32
      %broadcast_in_dim3A_367 = vector.broadcast %broadcast_in_dim3A_366 : f32 to vector<16xf32>
      %select_n3A_368 = arith.select %eq3A_365, %broadcast_in_dim3A_367, %get3A_252 : vector<16xi1>, vector<16xf32>
      %eq3A_369 = arith.cmpi eq, %add3A_6, %broadcast_in_dim3A_364 : vector<16xi32>
      %broadcast_in_dim3A_370 = arith.constant -1.000000e+30 : f32
      %broadcast_in_dim3A_371 = vector.broadcast %broadcast_in_dim3A_370 : f32 to vector<16xf32>
      %select_n3A_372 = arith.select %eq3A_369, %broadcast_in_dim3A_371, %get3A_256 : vector<16xi1>, vector<16xf32>
      %eq3A_373 = arith.cmpi eq, %add3A_9, %broadcast_in_dim3A_364 : vector<16xi32>
      %broadcast_in_dim3A_374 = arith.constant -1.000000e+30 : f32
      %broadcast_in_dim3A_375 = vector.broadcast %broadcast_in_dim3A_374 : f32 to vector<16xf32>
      %select_n3A_376 = arith.select %eq3A_373, %broadcast_in_dim3A_375, %get3A_260 : vector<16xi1>, vector<16xf32>
      %eq3A_377 = arith.cmpi eq, %add3A_12, %broadcast_in_dim3A_364 : vector<16xi32>
      %broadcast_in_dim3A_378 = arith.constant -1.000000e+30 : f32
      %broadcast_in_dim3A_379 = vector.broadcast %broadcast_in_dim3A_378 : f32 to vector<16xf32>
      %select_n3A_380 = arith.select %eq3A_377, %broadcast_in_dim3A_379, %get3A_264 : vector<16xi1>, vector<16xf32>
      %reduce_max3A_381 = arith.constant true
      %reduce_max3A_382 = vector.broadcast %reduce_max3A_381 : i1 to vector<16xi1>
      %reduce_max3A_383 = tpu.scan <max>, %select_n3A_368 masked %reduce_max3A_382 : vector<16xf32>, vector<16xi1> -> vector<16xf32>
      %reduce_max3A_384 = vector.extract %reduce_max3A_383[15] : f32 from vector<16xf32>
      %reduce_max3A_385 = arith.constant true
      %reduce_max3A_386 = vector.broadcast %reduce_max3A_385 : i1 to vector<16xi1>
      %reduce_max3A_387 = tpu.scan <max>, %select_n3A_372 masked %reduce_max3A_386 : vector<16xf32>, vector<16xi1> -> vector<16xf32>
      %reduce_max3A_388 = vector.extract %reduce_max3A_387[15] : f32 from vector<16xf32>
      %max3A_389 = arith.maximumf %reduce_max3A_384, %reduce_max3A_388 : f32
      %reduce_max3A_390 = arith.constant true
      %reduce_max3A_391 = vector.broadcast %reduce_max3A_390 : i1 to vector<16xi1>
      %reduce_max3A_392 = tpu.scan <max>, %select_n3A_376 masked %reduce_max3A_391 : vector<16xf32>, vector<16xi1> -> vector<16xf32>
      %reduce_max3A_393 = vector.extract %reduce_max3A_392[15] : f32 from vector<16xf32>
      %max3A_394 = arith.maximumf %max3A_389, %reduce_max3A_393 : f32
      %reduce_max3A_395 = arith.constant true
      %reduce_max3A_396 = vector.broadcast %reduce_max3A_395 : i1 to vector<16xi1>
      %reduce_max3A_397 = tpu.scan <max>, %select_n3A_380 masked %reduce_max3A_396 : vector<16xf32>, vector<16xi1> -> vector<16xf32>
      %reduce_max3A_398 = vector.extract %reduce_max3A_397[15] : f32 from vector<16xf32>
      %max3A_399 = arith.maximumf %max3A_394, %reduce_max3A_398 : f32
      %broadcast_in_dim3A_400 = vector.broadcast %max3A_399 : f32 to vector<16xf32>
      %eq3A_401 = arith.cmpf oeq, %select_n3A_368, %broadcast_in_dim3A_400 : vector<16xf32>
      %broadcast_in_dim3A_402 = arith.constant 9999 : i32
      %broadcast_in_dim3A_403 = vector.broadcast %broadcast_in_dim3A_402 : i32 to vector<16xi32>
      %select_n3A_404 = arith.select %eq3A_401, %add3A_3, %broadcast_in_dim3A_403 : vector<16xi1>, vector<16xi32>
      %reduce_min3A_405 = arith.constant true
      %reduce_min3A_406 = vector.broadcast %reduce_min3A_405 : i1 to vector<16xi1>
      %reduce_min3A_407 = arith.constant -2147483648 : i32
      %reduce_min3A_408 = vector.broadcast %reduce_min3A_407 : i32 to vector<16xi32>
      %reduce_min3A_409 = arith.xori %select_n3A_404, %reduce_min3A_408 : vector<16xi32>
      %reduce_min3A_410 = tpu.scan <min>, %reduce_min3A_409 masked %reduce_min3A_406 : vector<16xi32>, vector<16xi1> -> vector<16xi32>
      %reduce_min3A_411 = arith.xori %reduce_min3A_410, %reduce_min3A_408 : vector<16xi32>
      %reduce_min3A_412 = vector.extract %reduce_min3A_411[15] : i32 from vector<16xi32>
      %eq3A_413 = arith.cmpf oeq, %select_n3A_372, %broadcast_in_dim3A_400 : vector<16xf32>
      %broadcast_in_dim3A_414 = arith.constant 9999 : i32
      %broadcast_in_dim3A_415 = vector.broadcast %broadcast_in_dim3A_414 : i32 to vector<16xi32>
      %select_n3A_416 = arith.select %eq3A_413, %add3A_6, %broadcast_in_dim3A_415 : vector<16xi1>, vector<16xi32>
      %reduce_min3A_417 = arith.constant true
      %reduce_min3A_418 = vector.broadcast %reduce_min3A_417 : i1 to vector<16xi1>
      %reduce_min3A_419 = arith.constant -2147483648 : i32
      %reduce_min3A_420 = vector.broadcast %reduce_min3A_419 : i32 to vector<16xi32>
      %reduce_min3A_421 = arith.xori %select_n3A_416, %reduce_min3A_420 : vector<16xi32>
      %reduce_min3A_422 = tpu.scan <min>, %reduce_min3A_421 masked %reduce_min3A_418 : vector<16xi32>, vector<16xi1> -> vector<16xi32>
      %reduce_min3A_423 = arith.xori %reduce_min3A_422, %reduce_min3A_420 : vector<16xi32>
      %reduce_min3A_424 = vector.extract %reduce_min3A_423[15] : i32 from vector<16xi32>
      %min3A_425 = arith.minsi %reduce_min3A_412, %reduce_min3A_424 : i32
      %eq3A_426 = arith.cmpf oeq, %select_n3A_376, %broadcast_in_dim3A_400 : vector<16xf32>
      %broadcast_in_dim3A_427 = arith.constant 9999 : i32
      %broadcast_in_dim3A_428 = vector.broadcast %broadcast_in_dim3A_427 : i32 to vector<16xi32>
      %select_n3A_429 = arith.select %eq3A_426, %add3A_9, %broadcast_in_dim3A_428 : vector<16xi1>, vector<16xi32>
      %reduce_min3A_430 = arith.constant true
      %reduce_min3A_431 = vector.broadcast %reduce_min3A_430 : i1 to vector<16xi1>
      %reduce_min3A_432 = arith.constant -2147483648 : i32
      %reduce_min3A_433 = vector.broadcast %reduce_min3A_432 : i32 to vector<16xi32>
      %reduce_min3A_434 = arith.xori %select_n3A_429, %reduce_min3A_433 : vector<16xi32>
      %reduce_min3A_435 = tpu.scan <min>, %reduce_min3A_434 masked %reduce_min3A_431 : vector<16xi32>, vector<16xi1> -> vector<16xi32>
      %reduce_min3A_436 = arith.xori %reduce_min3A_435, %reduce_min3A_433 : vector<16xi32>
      %reduce_min3A_437 = vector.extract %reduce_min3A_436[15] : i32 from vector<16xi32>
      %min3A_438 = arith.minsi %min3A_425, %reduce_min3A_437 : i32
      %eq3A_439 = arith.cmpf oeq, %select_n3A_380, %broadcast_in_dim3A_400 : vector<16xf32>
      %broadcast_in_dim3A_440 = arith.constant 9999 : i32
      %broadcast_in_dim3A_441 = vector.broadcast %broadcast_in_dim3A_440 : i32 to vector<16xi32>
      %select_n3A_442 = arith.select %eq3A_439, %add3A_12, %broadcast_in_dim3A_441 : vector<16xi1>, vector<16xi32>
      %reduce_min3A_443 = arith.constant true
      %reduce_min3A_444 = vector.broadcast %reduce_min3A_443 : i1 to vector<16xi1>
      %reduce_min3A_445 = arith.constant -2147483648 : i32
      %reduce_min3A_446 = vector.broadcast %reduce_min3A_445 : i32 to vector<16xi32>
      %reduce_min3A_447 = arith.xori %select_n3A_442, %reduce_min3A_446 : vector<16xi32>
      %reduce_min3A_448 = tpu.scan <min>, %reduce_min3A_447 masked %reduce_min3A_444 : vector<16xi32>, vector<16xi1> -> vector<16xi32>
      %reduce_min3A_449 = arith.xori %reduce_min3A_448, %reduce_min3A_446 : vector<16xi32>
      %reduce_min3A_450 = vector.extract %reduce_min3A_449[15] : i32 from vector<16xi32>
      %min3A_451 = arith.minsi %min3A_438, %reduce_min3A_450 : i32
      %broadcast_in_dim3A_452 = vector.broadcast %min3A_451 : i32 to vector<16xi32>
      %eq3A_453 = arith.cmpi eq, %add3A_3, %broadcast_in_dim3A_364 : vector<16xi32>
      %eq3A_454 = arith.cmpi eq, %add3A_3, %broadcast_in_dim3A_452 : vector<16xi32>
      %or3A_455 = arith.ori %eq3A_453, %eq3A_454 : vector<16xi1>
      %div3A_456 = arith.divf %exp3A_286, %broadcast_in_dim3A_312 : vector<16xf32>
      %broadcast_in_dim3A_457 = arith.constant 0.000000e+00 : f32
      %broadcast_in_dim3A_458 = vector.broadcast %broadcast_in_dim3A_457 : f32 to vector<16xf32>
      %select_n3A_459 = arith.select %or3A_455, %div3A_456, %broadcast_in_dim3A_458 : vector<16xi1>, vector<16xf32>
      %swap3A_460 = arith.constant 1 : i32
      %swap3A_461 = arith.index_cast %swap3A_460 : i32 to index
      %swap3A_462 = arith.constant 0 : index
      %swap3A_463 = tpu.vector_load %arg7[%swap3A_461, %swap3A_462] {strides = array<i32>} : memref<2x64xf32, #tpu.memory_space<vmem>>, vector<16xf32>,
      tpu.vector_store %arg7[%swap3A_461, %swap3A_462], %select_n3A_459 {strides = array<i32>} : memref<2x64xf32, #tpu.memory_space<vmem>>, vector<16xf32>,
      %eq3A_464 = arith.cmpi eq, %add3A_6, %broadcast_in_dim3A_364 : vector<16xi32>
      %eq3A_465 = arith.cmpi eq, %add3A_6, %broadcast_in_dim3A_452 : vector<16xi32>
      %or3A_466 = arith.ori %eq3A_464, %eq3A_465 : vector<16xi1>
      %div3A_467 = arith.divf %exp3A_288, %broadcast_in_dim3A_312 : vector<16xf32>
      %broadcast_in_dim3A_468 = arith.constant 0.000000e+00 : f32
      %broadcast_in_dim3A_469 = vector.broadcast %broadcast_in_dim3A_468 : f32 to vector<16xf32>
      %select_n3A_470 = arith.select %or3A_466, %div3A_467, %broadcast_in_dim3A_469 : vector<16xi1>, vector<16xf32>
      %swap3A_471 = arith.constant 1 : i32
      %swap3A_472 = arith.index_cast %swap3A_471 : i32 to index
      %swap3A_473 = arith.constant 16 : index
      %swap3A_474 = tpu.vector_load %arg7[%swap3A_472, %swap3A_473] {strides = array<i32>} : memref<2x64xf32, #tpu.memory_space<vmem>>, vector<16xf32>,
      tpu.vector_store %arg7[%swap3A_472, %swap3A_473], %select_n3A_470 {strides = array<i32>} : memref<2x64xf32, #tpu.memory_space<vmem>>, vector<16xf32>,
      %eq3A_475 = arith.cmpi eq, %add3A_9, %broadcast_in_dim3A_364 : vector<16xi32>
      %eq3A_476 = arith.cmpi eq, %add3A_9, %broadcast_in_dim3A_452 : vector<16xi32>
      %or3A_477 = arith.ori %eq3A_475, %eq3A_476 : vector<16xi1>
      %div3A_478 = arith.divf %exp3A_290, %broadcast_in_dim3A_312 : vector<16xf32>
      %broadcast_in_dim3A_479 = arith.constant 0.000000e+00 : f32
      %broadcast_in_dim3A_480 = vector.broadcast %broadcast_in_dim3A_479 : f32 to vector<16xf32>
      %select_n3A_481 = arith.select %or3A_477, %div3A_478, %broadcast_in_dim3A_480 : vector<16xi1>, vector<16xf32>
      %swap3A_482 = arith.constant 1 : i32
      %swap3A_483 = arith.index_cast %swap3A_482 : i32 to index
      %swap3A_484 = arith.constant 32 : index
      %swap3A_485 = tpu.vector_load %arg7[%swap3A_483, %swap3A_484] {strides = array<i32>} : memref<2x64xf32, #tpu.memory_space<vmem>>, vector<16xf32>,
      tpu.vector_store %arg7[%swap3A_483, %swap3A_484], %select_n3A_481 {strides = array<i32>} : memref<2x64xf32, #tpu.memory_space<vmem>>, vector<16xf32>,
      %eq3A_486 = arith.cmpi eq, %add3A_12, %broadcast_in_dim3A_364 : vector<16xi32>
      %eq3A_487 = arith.cmpi eq, %add3A_12, %broadcast_in_dim3A_452 : vector<16xi32>
      %or3A_488 = arith.ori %eq3A_486, %eq3A_487 : vector<16xi1>
      %div3A_489 = arith.divf %exp3A_292, %broadcast_in_dim3A_312 : vector<16xf32>
      %broadcast_in_dim3A_490 = arith.constant 0.000000e+00 : f32
      %broadcast_in_dim3A_491 = vector.broadcast %broadcast_in_dim3A_490 : f32 to vector<16xf32>
      %select_n3A_492 = arith.select %or3A_488, %div3A_489, %broadcast_in_dim3A_491 : vector<16xi1>, vector<16xf32>
      %swap3A_493 = arith.constant 1 : i32
      %swap3A_494 = arith.index_cast %swap3A_493 : i32 to index
      %swap3A_495 = arith.constant 48 : index
      %swap3A_496 = tpu.vector_load %arg7[%swap3A_494, %swap3A_495] {strides = array<i32>} : memref<2x64xf32, #tpu.memory_space<vmem>>, vector<16xf32>,
      tpu.vector_store %arg7[%swap3A_494, %swap3A_495], %select_n3A_492 {strides = array<i32>} : memref<2x64xf32, #tpu.memory_space<vmem>>, vector<16xf32>,
      %mul3A_497 = arith.constant 2 : i32
      %mul3A_498 = arith.muli %arg1, %mul3A_497 : i32
      "tpu.region"() ({
        %run_scoped3A = tpu.sem_alloc : memref<!tpu.dma_semaphore, #tpu.memory_space<semaphore_mem>>
        %dma_start3A = arith.constant 0 : i32
        %dma_start3A_504 = tpu.memref_slice %arg5[%mul3A_498, %dma_start3A] : memref<32x64xf32, #tpu.memory_space<hbm>> -> memref<2x64xf32, #tpu.memory_space<hbm>>
        %dma_start3A_505 = arith.constant 0 : i32
        %dma_start3A_506 = tpu.memref_slice %arg5[%mul3A_498, %dma_start3A_505] : memref<32x64xf32, #tpu.memory_space<hbm>> -> memref<2x64xf32, #tpu.memory_space<hbm>>
        tpu.enqueue_dma source(%arg7 : memref<2x64xf32, #tpu.memory_space<vmem>>) target(%dma_start3A_506 : memref<2x64xf32, #tpu.memory_space<hbm>>) target_semaphore(%run_scoped3A : memref<!tpu.dma_semaphore, #tpu.memory_space<semaphore_mem>>)
        %dma_wait3A = arith.constant 0 : i32
        %dma_wait3A_507 = tpu.memref_slice %arg5[%mul3A_498, %dma_wait3A] : memref<32x64xf32, #tpu.memory_space<hbm>> -> memref<2x64xf32, #tpu.memory_space<hbm>>
        %dma_wait3A_508 = arith.constant 0 : i32
        %dma_wait3A_509 = tpu.memref_slice %arg5[%mul3A_498, %dma_wait3A_508] : memref<32x64xf32, #tpu.memory_space<hbm>> -> memref<2x64xf32, #tpu.memory_space<hbm>>
        tpu.wait_dma2 semaphore(%run_scoped3A : memref<!tpu.dma_semaphore, #tpu.memory_space<semaphore_mem>>) src(%arg7 : memref<2x64xf32, #tpu.memory_space<vmem>>) dst(%dma_wait3A_509 : memref<2x64xf32, #tpu.memory_space<hbm>>)
        tpu.yield
      }) : () -> ()
      %barrier3A = arith.constant 0 : index
      tpu.barrier barrier_id(%barrier3A)
      %eq3A_499 = arith.constant 0 : i32
      %eq3A_500 = arith.cmpi eq, %arg1, %eq3A_499 : i32
      %convert_element_type3A_501 = arith.extui %eq3A_500 : i1 to i32
      %cond3A_502 = arith.constant 0 : i32
      %cond3A_503 = arith.cmpi ne, %convert_element_type3A_501, %cond3A_502 : i32
      scf.if %cond3A_503 {
        "tpu.region"() ({
          %run_scoped3A = tpu.sem_alloc : memref<!tpu.dma_semaphore, #tpu.memory_space<semaphore_mem>>
          tpu.enqueue_dma source(%arg5 : memref<32x64xf32, #tpu.memory_space<hbm>>) target(%arg8 : memref<32x64xf32, #tpu.memory_space<vmem>>) target_semaphore(%run_scoped3A : memref<!tpu.dma_semaphore, #tpu.memory_space<semaphore_mem>>)
          tpu.wait_dma2 semaphore(%run_scoped3A : memref<!tpu.dma_semaphore, #tpu.memory_space<semaphore_mem>>) src(%arg5 : memref<32x64xf32, #tpu.memory_space<hbm>>) dst(%arg8 : memref<32x64xf32, #tpu.memory_space<vmem>>)
          tpu.yield
        }) : () -> ()
        %broadcast_in_dim3A_504 = arith.constant 0.000000e+00 : f32
        %broadcast_in_dim3A_505 = vector.broadcast %broadcast_in_dim3A_504 : f32 to vector<16xf32>
        %scan3A = arith.constant 0 : i32
        %scan3A_506 = arith.constant 32 : i32
        %scan3A_507 = arith.addi %scan3A, %scan3A_506 : i32
        %scan3A_508 = arith.constant 1 : i32
        %scan3A_509:4 = scf.for %scan3A_640 = %scan3A to %scan3A_507 step %scan3A_508 iter_args(%scan3A_641 = %broadcast_in_dim3A_505, %scan3A_642 = %broadcast_in_dim3A_505, %scan3A_643 = %broadcast_in_dim3A_505, %scan3A_644 = %broadcast_in_dim3A_505) -> (vector<16xf32>, vector<16xf32>, vector<16xf32>, vector<16xf32>)  : i32 {
          %get3A_645 = arith.index_cast %scan3A_640 : i32 to index
          %get3A_646 = arith.constant 0 : index
          %get3A_647 = tpu.vector_load %arg8[%get3A_645, %get3A_646] {strides = array<i32>} : memref<32x64xf32, #tpu.memory_space<vmem>>, vector<16xf32>,
          %max3A_648 = arith.maximumf %scan3A_641, %get3A_647 : vector<16xf32>
          %get3A_649 = arith.index_cast %scan3A_640 : i32 to index
          %get3A_650 = arith.constant 16 : index
          %get3A_651 = tpu.vector_load %arg8[%get3A_649, %get3A_650] {strides = array<i32>} : memref<32x64xf32, #tpu.memory_space<vmem>>, vector<16xf32>,
          %max3A_652 = arith.maximumf %scan3A_642, %get3A_651 : vector<16xf32>
          %get3A_653 = arith.index_cast %scan3A_640 : i32 to index
          %get3A_654 = arith.constant 32 : index
          %get3A_655 = tpu.vector_load %arg8[%get3A_653, %get3A_654] {strides = array<i32>} : memref<32x64xf32, #tpu.memory_space<vmem>>, vector<16xf32>,
          %max3A_656 = arith.maximumf %scan3A_643, %get3A_655 : vector<16xf32>
          %get3A_657 = arith.index_cast %scan3A_640 : i32 to index
          %get3A_658 = arith.constant 48 : index
          %get3A_659 = tpu.vector_load %arg8[%get3A_657, %get3A_658] {strides = array<i32>} : memref<32x64xf32, #tpu.memory_space<vmem>>, vector<16xf32>,
          %max3A_660 = arith.maximumf %scan3A_644, %get3A_659 : vector<16xf32>
          scf.yield %max3A_648, %max3A_652, %max3A_656, %max3A_660 : vector<16xf32>, vector<16xf32>, vector<16xf32>, vector<16xf32>
        }
        %scan3A_510 = arith.constant 32 : i32
        %gt3A = arith.constant 0.000000e+00 : f32
        %gt3A_511 = vector.broadcast %gt3A : f32 to vector<16xf32>
        %gt3A_512 = arith.cmpf ogt, %scan3A_509#0, %gt3A_511 : vector<16xf32>
        %broadcast_in_dim3A_513 = arith.constant 1 : i32
        %broadcast_in_dim3A_514 = vector.broadcast %broadcast_in_dim3A_513 : i32 to vector<16xi32>
        %broadcast_in_dim3A_515 = arith.constant 0 : i32
        %broadcast_in_dim3A_516 = vector.broadcast %broadcast_in_dim3A_515 : i32 to vector<16xi32>
        %select_n3A_517 = arith.select %gt3A_512, %broadcast_in_dim3A_514, %broadcast_in_dim3A_516 : vector<16xi1>, vector<16xi32>
        %broadcast_in_dim3A_518 = arith.constant true
        %broadcast_in_dim3A_519 = vector.broadcast %broadcast_in_dim3A_518 : i1 to vector<16xi1>
        %masked_cumsum3A = tpu.scan <sum>, %select_n3A_517 masked %broadcast_in_dim3A_519 : vector<16xi32>, vector<16xi1> -> vector<16xi32>
        %broadcast_in_dim3A_520 = arith.constant 0 : i32
        %broadcast_in_dim3A_521 = vector.broadcast %broadcast_in_dim3A_520 : i32 to vector<16xi32>
        %add3A_522 = arith.addi %masked_cumsum3A, %broadcast_in_dim3A_521 : vector<16xi32>
        %sub3A_523 = arith.constant 1 : i32
        %sub3A_524 = vector.broadcast %sub3A_523 : i32 to vector<16xi32>
        %sub3A_525 = arith.subi %add3A_522, %sub3A_524 : vector<16xi32>
        %broadcast_in_dim3A_526 = arith.constant 0 : i32
        %broadcast_in_dim3A_527 = vector.broadcast %broadcast_in_dim3A_526 : i32 to vector<16xi32>
        %max3A_528 = arith.maxsi %sub3A_525, %broadcast_in_dim3A_527 : vector<16xi32>
        tpu.vector_store_idx %arg9[%max3A_528], %add3A_3 masked %gt3A_512 : memref<64xi32, #tpu.memory_space<vmem>>[vector<16xi32>], vector<16xi32>, vector<16xi1>
        %reduce_sum3A_529 = arith.constant true
        %reduce_sum3A_530 = vector.broadcast %reduce_sum3A_529 : i1 to vector<16xi1>
        %reduce_sum3A_531 = tpu.scan <sum>, %select_n3A_517 masked %reduce_sum3A_530 : vector<16xi32>, vector<16xi1> -> vector<16xi32>
        %reduce_sum3A_532 = vector.extract %reduce_sum3A_531[15] : i32 from vector<16xi32>
        %add3A_533 = arith.constant 0 : i32
        %add3A_534 = arith.addi %add3A_533, %reduce_sum3A_532 : i32
        %gt3A_535 = arith.constant 0.000000e+00 : f32
        %gt3A_536 = vector.broadcast %gt3A_535 : f32 to vector<16xf32>
        %gt3A_537 = arith.cmpf ogt, %scan3A_509#1, %gt3A_536 : vector<16xf32>
        %broadcast_in_dim3A_538 = arith.constant 1 : i32
        %broadcast_in_dim3A_539 = vector.broadcast %broadcast_in_dim3A_538 : i32 to vector<16xi32>
        %broadcast_in_dim3A_540 = arith.constant 0 : i32
        %broadcast_in_dim3A_541 = vector.broadcast %broadcast_in_dim3A_540 : i32 to vector<16xi32>
        %select_n3A_542 = arith.select %gt3A_537, %broadcast_in_dim3A_539, %broadcast_in_dim3A_541 : vector<16xi1>, vector<16xi32>
        %broadcast_in_dim3A_543 = arith.constant true
        %broadcast_in_dim3A_544 = vector.broadcast %broadcast_in_dim3A_543 : i1 to vector<16xi1>
        %masked_cumsum3A_545 = tpu.scan <sum>, %select_n3A_542 masked %broadcast_in_dim3A_544 : vector<16xi32>, vector<16xi1> -> vector<16xi32>
        %broadcast_in_dim3A_546 = vector.broadcast %add3A_534 : i32 to vector<16xi32>
        %add3A_547 = arith.addi %masked_cumsum3A_545, %broadcast_in_dim3A_546 : vector<16xi32>
        %sub3A_548 = arith.constant 1 : i32
        %sub3A_549 = vector.broadcast %sub3A_548 : i32 to vector<16xi32>
        %sub3A_550 = arith.subi %add3A_547, %sub3A_549 : vector<16xi32>
        %broadcast_in_dim3A_551 = arith.constant 0 : i32
        %broadcast_in_dim3A_552 = vector.broadcast %broadcast_in_dim3A_551 : i32 to vector<16xi32>
        %max3A_553 = arith.maxsi %sub3A_550, %broadcast_in_dim3A_552 : vector<16xi32>
        tpu.vector_store_idx %arg9[%max3A_553], %add3A_6 masked %gt3A_537 : memref<64xi32, #tpu.memory_space<vmem>>[vector<16xi32>], vector<16xi32>, vector<16xi1>
        %reduce_sum3A_554 = arith.constant true
        %reduce_sum3A_555 = vector.broadcast %reduce_sum3A_554 : i1 to vector<16xi1>
        %reduce_sum3A_556 = tpu.scan <sum>, %select_n3A_542 masked %reduce_sum3A_555 : vector<16xi32>, vector<16xi1> -> vector<16xi32>
        %reduce_sum3A_557 = vector.extract %reduce_sum3A_556[15] : i32 from vector<16xi32>
        %add3A_558 = arith.addi %add3A_534, %reduce_sum3A_557 : i32
        %gt3A_559 = arith.constant 0.000000e+00 : f32
        %gt3A_560 = vector.broadcast %gt3A_559 : f32 to vector<16xf32>
        %gt3A_561 = arith.cmpf ogt, %scan3A_509#2, %gt3A_560 : vector<16xf32>
        %broadcast_in_dim3A_562 = arith.constant 1 : i32
        %broadcast_in_dim3A_563 = vector.broadcast %broadcast_in_dim3A_562 : i32 to vector<16xi32>
        %broadcast_in_dim3A_564 = arith.constant 0 : i32
        %broadcast_in_dim3A_565 = vector.broadcast %broadcast_in_dim3A_564 : i32 to vector<16xi32>
        %select_n3A_566 = arith.select %gt3A_561, %broadcast_in_dim3A_563, %broadcast_in_dim3A_565 : vector<16xi1>, vector<16xi32>
        %broadcast_in_dim3A_567 = arith.constant true
        %broadcast_in_dim3A_568 = vector.broadcast %broadcast_in_dim3A_567 : i1 to vector<16xi1>
        %masked_cumsum3A_569 = tpu.scan <sum>, %select_n3A_566 masked %broadcast_in_dim3A_568 : vector<16xi32>, vector<16xi1> -> vector<16xi32>
        %broadcast_in_dim3A_570 = vector.broadcast %add3A_558 : i32 to vector<16xi32>
        %add3A_571 = arith.addi %masked_cumsum3A_569, %broadcast_in_dim3A_570 : vector<16xi32>
        %sub3A_572 = arith.constant 1 : i32
        %sub3A_573 = vector.broadcast %sub3A_572 : i32 to vector<16xi32>
        %sub3A_574 = arith.subi %add3A_571, %sub3A_573 : vector<16xi32>
        %broadcast_in_dim3A_575 = arith.constant 0 : i32
        %broadcast_in_dim3A_576 = vector.broadcast %broadcast_in_dim3A_575 : i32 to vector<16xi32>
        %max3A_577 = arith.maxsi %sub3A_574, %broadcast_in_dim3A_576 : vector<16xi32>
        tpu.vector_store_idx %arg9[%max3A_577], %add3A_9 masked %gt3A_561 : memref<64xi32, #tpu.memory_space<vmem>>[vector<16xi32>], vector<16xi32>, vector<16xi1>
        %reduce_sum3A_578 = arith.constant true
        %reduce_sum3A_579 = vector.broadcast %reduce_sum3A_578 : i1 to vector<16xi1>
        %reduce_sum3A_580 = tpu.scan <sum>, %select_n3A_566 masked %reduce_sum3A_579 : vector<16xi32>, vector<16xi1> -> vector<16xi32>
        %reduce_sum3A_581 = vector.extract %reduce_sum3A_580[15] : i32 from vector<16xi32>
        %add3A_582 = arith.addi %add3A_558, %reduce_sum3A_581 : i32
        %gt3A_583 = arith.constant 0.000000e+00 : f32
        %gt3A_584 = vector.broadcast %gt3A_583 : f32 to vector<16xf32>
        %gt3A_585 = arith.cmpf ogt, %scan3A_509#3, %gt3A_584 : vector<16xf32>
        %broadcast_in_dim3A_586 = arith.constant 1 : i32
        %broadcast_in_dim3A_587 = vector.broadcast %broadcast_in_dim3A_586 : i32 to vector<16xi32>
        %broadcast_in_dim3A_588 = arith.constant 0 : i32
        %broadcast_in_dim3A_589 = vector.broadcast %broadcast_in_dim3A_588 : i32 to vector<16xi32>
        %select_n3A_590 = arith.select %gt3A_585, %broadcast_in_dim3A_587, %broadcast_in_dim3A_589 : vector<16xi1>, vector<16xi32>
        %broadcast_in_dim3A_591 = arith.constant true
        %broadcast_in_dim3A_592 = vector.broadcast %broadcast_in_dim3A_591 : i1 to vector<16xi1>
        %masked_cumsum3A_593 = tpu.scan <sum>, %select_n3A_590 masked %broadcast_in_dim3A_592 : vector<16xi32>, vector<16xi1> -> vector<16xi32>
        %broadcast_in_dim3A_594 = vector.broadcast %add3A_582 : i32 to vector<16xi32>
        %add3A_595 = arith.addi %masked_cumsum3A_593, %broadcast_in_dim3A_594 : vector<16xi32>
        %sub3A_596 = arith.constant 1 : i32
        %sub3A_597 = vector.broadcast %sub3A_596 : i32 to vector<16xi32>
        %sub3A_598 = arith.subi %add3A_595, %sub3A_597 : vector<16xi32>
        %broadcast_in_dim3A_599 = arith.constant 0 : i32
        %broadcast_in_dim3A_600 = vector.broadcast %broadcast_in_dim3A_599 : i32 to vector<16xi32>
        %max3A_601 = arith.maxsi %sub3A_598, %broadcast_in_dim3A_600 : vector<16xi32>
        tpu.vector_store_idx %arg9[%max3A_601], %add3A_12 masked %gt3A_585 : memref<64xi32, #tpu.memory_space<vmem>>[vector<16xi32>], vector<16xi32>, vector<16xi1>
        %reduce_sum3A_602 = arith.constant true
        %reduce_sum3A_603 = vector.broadcast %reduce_sum3A_602 : i1 to vector<16xi1>
        %reduce_sum3A_604 = tpu.scan <sum>, %select_n3A_590 masked %reduce_sum3A_603 : vector<16xi32>, vector<16xi1> -> vector<16xi32>
        %reduce_sum3A_605 = vector.extract %reduce_sum3A_604[15] : i32 from vector<16xi32>
        %add3A_606 = arith.addi %add3A_582, %reduce_sum3A_605 : i32
        %sub3A_607 = arith.constant 1 : i32
        %sub3A_608 = arith.subi %add3A_606, %sub3A_607 : i32
        %broadcast_in_dim3A_609 = vector.broadcast %sub3A_608 : i32 to vector<16xi32>
        %gather3A = tpu.vector_load_idx %arg9[%broadcast_in_dim3A_609] : memref<64xi32, #tpu.memory_space<vmem>>[vector<16xi32>], vector<16xi32>,
        %get3A_610 = arith.constant 0 : index
        %get3A_611 = tpu.vector_load %arg9[%get3A_610] {strides = array<i32>} : memref<64xi32, #tpu.memory_space<vmem>>, vector<16xi32>,
        %broadcast_in_dim3A_612 = vector.broadcast %add3A_606 : i32 to vector<16xi32>
        %ge3A = arith.cmpi sge, %add3A_3, %broadcast_in_dim3A_612 : vector<16xi32>
        %select_n3A_613 = arith.select %ge3A, %gather3A, %get3A_611 : vector<16xi1>, vector<16xi32>
        %swap3A_614 = arith.constant 0 : index
        %swap3A_615 = tpu.vector_load %arg9[%swap3A_614] {strides = array<i32>} : memref<64xi32, #tpu.memory_space<vmem>>, vector<16xi32>,
        tpu.vector_store %arg9[%swap3A_614], %select_n3A_613 {strides = array<i32>} : memref<64xi32, #tpu.memory_space<vmem>>, vector<16xi32>,
        %get3A_616 = arith.constant 16 : index
        %get3A_617 = tpu.vector_load %arg9[%get3A_616] {strides = array<i32>} : memref<64xi32, #tpu.memory_space<vmem>>, vector<16xi32>,
        %broadcast_in_dim3A_618 = vector.broadcast %add3A_606 : i32 to vector<16xi32>
        %ge3A_619 = arith.cmpi sge, %add3A_6, %broadcast_in_dim3A_618 : vector<16xi32>
        %select_n3A_620 = arith.select %ge3A_619, %gather3A, %get3A_617 : vector<16xi1>, vector<16xi32>
        %swap3A_621 = arith.constant 16 : index
        %swap3A_622 = tpu.vector_load %arg9[%swap3A_621] {strides = array<i32>} : memref<64xi32, #tpu.memory_space<vmem>>, vector<16xi32>,
        tpu.vector_store %arg9[%swap3A_621], %select_n3A_620 {strides = array<i32>} : memref<64xi32, #tpu.memory_space<vmem>>, vector<16xi32>,
        %get3A_623 = arith.constant 32 : index
        %get3A_624 = tpu.vector_load %arg9[%get3A_623] {strides = array<i32>} : memref<64xi32, #tpu.memory_space<vmem>>, vector<16xi32>,
        %broadcast_in_dim3A_625 = vector.broadcast %add3A_606 : i32 to vector<16xi32>
        %ge3A_626 = arith.cmpi sge, %add3A_9, %broadcast_in_dim3A_625 : vector<16xi32>
        %select_n3A_627 = arith.select %ge3A_626, %gather3A, %get3A_624 : vector<16xi1>, vector<16xi32>
        %swap3A_628 = arith.constant 32 : index
        %swap3A_629 = tpu.vector_load %arg9[%swap3A_628] {strides = array<i32>} : memref<64xi32, #tpu.memory_space<vmem>>, vector<16xi32>,
        tpu.vector_store %arg9[%swap3A_628], %select_n3A_627 {strides = array<i32>} : memref<64xi32, #tpu.memory_space<vmem>>, vector<16xi32>,
        %get3A_630 = arith.constant 48 : index
        %get3A_631 = tpu.vector_load %arg9[%get3A_630] {strides = array<i32>} : memref<64xi32, #tpu.memory_space<vmem>>, vector<16xi32>,
        %broadcast_in_dim3A_632 = vector.broadcast %add3A_606 : i32 to vector<16xi32>
        %ge3A_633 = arith.cmpi sge, %add3A_12, %broadcast_in_dim3A_632 : vector<16xi32>
        %select_n3A_634 = arith.select %ge3A_633, %gather3A, %get3A_631 : vector<16xi1>, vector<16xi32>
        %swap3A_635 = arith.constant 48 : index
        %swap3A_636 = tpu.vector_load %arg9[%swap3A_635] {strides = array<i32>} : memref<64xi32, #tpu.memory_space<vmem>>, vector<16xi32>,
        tpu.vector_store %arg9[%swap3A_635], %select_n3A_634 {strides = array<i32>} : memref<64xi32, #tpu.memory_space<vmem>>, vector<16xi32>,
        %broadcast_in_dim3A_637 = vector.broadcast %add3A_606 : i32 to vector<16xi32>
        %swap3A_638 = arith.constant 0 : index
        %swap3A_639 = tpu.vector_load %arg10[%swap3A_638] {strides = array<i32>} : memref<16xi32, #tpu.memory_space<vmem>>, vector<16xi32>,
        tpu.vector_store %arg10[%swap3A_638], %broadcast_in_dim3A_637 {strides = array<i32>} : memref<16xi32, #tpu.memory_space<vmem>>, vector<16xi32>,
        "tpu.region"() ({
          %run_scoped3A = tpu.sem_alloc : memref<!tpu.dma_semaphore, #tpu.memory_space<semaphore_mem>>
          tpu.enqueue_dma source(%arg9 : memref<64xi32, #tpu.memory_space<vmem>>) target(%arg3 : memref<64xi32, #tpu.memory_space<hbm>>) target_semaphore(%run_scoped3A : memref<!tpu.dma_semaphore, #tpu.memory_space<semaphore_mem>>)
          tpu.wait_dma2 semaphore(%run_scoped3A : memref<!tpu.dma_semaphore, #tpu.memory_space<semaphore_mem>>) src(%arg9 : memref<64xi32, #tpu.memory_space<vmem>>) dst(%arg3 : memref<64xi32, #tpu.memory_space<hbm>>)
          tpu.yield
        }) : () -> ()
        "tpu.region"() ({
          %run_scoped3A = tpu.sem_alloc : memref<!tpu.dma_semaphore, #tpu.memory_space<semaphore_mem>>
          tpu.enqueue_dma source(%arg10 : memref<16xi32, #tpu.memory_space<vmem>>) target(%arg4 : memref<16xi32, #tpu.memory_space<hbm>>) target_semaphore(%run_scoped3A : memref<!tpu.dma_semaphore, #tpu.memory_space<semaphore_mem>>)
          tpu.wait_dma2 semaphore(%run_scoped3A : memref<!tpu.dma_semaphore, #tpu.memory_space<semaphore_mem>>) src(%arg10 : memref<16xi32, #tpu.memory_space<vmem>>) dst(%arg4 : memref<16xi32, #tpu.memory_space<hbm>>)
          tpu.yield
        }) : () -> ()
      } else {
      }
    } else {
    }
    return
  }
}

module attributes {stable_mosaic.version = 14 : i64} {
  func.func @_gate_body(%arg0: memref<32x1024xf32, #tpu.memory_space<vmem>>, %arg1: memref<1024x64xf32, #tpu.memory_space<vmem>>, %arg2: memref<1x64xf32, #tpu.memory_space<vmem>>, %arg3: memref<32x64xf32, #tpu.memory_space<vmem>>) attributes {dimension_semantics = [], scalar_prefetch = 0 : i64, scratch_operands = 0 : i64, tpu.core_type = #tpu.core_type<tc>} {
    %get3A = arith.constant 0 : index
    %get3A_0 = arith.constant 0 : index
    %get3A_1 = vector.load %arg0[%get3A, %get3A_0] : memref<32x1024xf32, #tpu.memory_space<vmem>>, vector<32x1024xf32>
    %get3A_2 = arith.constant 0 : index
    %get3A_3 = arith.constant 0 : index
    %get3A_4 = vector.load %arg1[%get3A_2, %get3A_3] : memref<1024x64xf32, #tpu.memory_space<vmem>>, vector<1024x64xf32>
    %dot_general3A = arith.constant dense<0.000000e+00> : vector<32x64xf32>
    %dot_general3A_5 = tpu.matmul %get3A_1, %get3A_4, %dot_general3A {dimension_numbers = #tpu.dot_dimension_numbers<[1], [0], [0], [1], [0, 0, 1, 1], [], []>, transpose_lhs_hint = false} : vector<32x1024xf32>, vector<1024x64xf32>, vector<32x64xf32> -> vector<32x64xf32>
    %get3A_6 = arith.constant 0 : index
    %get3A_7 = arith.constant 0 : index
    %get3A_8 = vector.load %arg2[%get3A_6, %get3A_7] : memref<1x64xf32, #tpu.memory_space<vmem>>, vector<1x64xf32>
    %add3A = vector.broadcast %get3A_8 : vector<1x64xf32> to vector<32x64xf32>
    %add3A_9 = arith.addf %dot_general3A_5, %add3A : vector<32x64xf32>
    %swap3A = arith.constant 0 : index
    %swap3A_10 = arith.constant 0 : index
    %swap3A_11 = vector.load %arg3[%swap3A, %swap3A_10] : memref<32x64xf32, #tpu.memory_space<vmem>>, vector<32x64xf32>
    tpu.vector_store %arg3[%swap3A, %swap3A_10], %add3A_9 {strides = array<i32>} : memref<32x64xf32, #tpu.memory_space<vmem>>, vector<32x64xf32>,
    return
  }
}

module attributes {stable_mosaic.version = 14 : i64} {
  func.func @_moe_body(%arg0: i32, %arg1: memref<64xi32, #tpu.memory_space<smem>>, %arg2: memref<16xi32, #tpu.memory_space<smem>>, %arg3: memref<32x1024xf32, #tpu.memory_space<vmem>>, %arg4: memref<32x64xf32, #tpu.memory_space<vmem>>, %arg5: memref<64x1024xf32, #tpu.memory_space<vmem>>, %arg6: memref<64x1024x1024xf32, #tpu.memory_space<any>>, %arg7: memref<32x1024xf32, #tpu.memory_space<vmem>>, %arg8: memref<4x512x1024xf32, #tpu.memory_space<vmem>>, %arg9: memref<4x!tpu.dma_semaphore, #tpu.memory_space<semaphore_mem>>) attributes {dimension_semantics = [#tpu.dimension_semantics<arbitrary>], iteration_bounds = array<i64: 1>, scalar_prefetch = 2 : i64, scratch_operands = 2 : i64, tpu.core_type = #tpu.core_type<tc>, window_params = [{pipeline_mode = #tpu.pipeline_mode<synchronous>, transform_indices = @transform_0, window_bounds = array<i64: 32, 1024>}, {pipeline_mode = #tpu.pipeline_mode<synchronous>, transform_indices = @transform_1, window_bounds = array<i64: 32, 64>}, {pipeline_mode = #tpu.pipeline_mode<synchronous>, transform_indices = @transform_2, window_bounds = array<i64: 64, 1024>}, {}, {pipeline_mode = #tpu.pipeline_mode<synchronous>, transform_indices = @transform_4, window_bounds = array<i64: 32, 1024>}]} {
    %get3A = arith.constant 0 : index
    %get3A_0 = memref.load %arg2[%get3A] : memref<16xi32, #tpu.memory_space<smem>>
    %mul3A = arith.constant 2 : i32
    %mul3A_1 = arith.muli %mul3A, %get3A_0 : i32
    %gt3A = arith.constant 0 : i32
    %gt3A_2 = arith.cmpi sgt, %mul3A_1, %gt3A : i32
    %convert_element_type3A = arith.extui %gt3A_2 : i1 to i32
    %cond3A = arith.constant 0 : i32
    %cond3A_3 = arith.cmpi ne, %convert_element_type3A, %cond3A : i32
    scf.if %cond3A_3 {
      %get3A_56 = arith.constant 0 : index
      %get3A_57 = memref.load %arg1[%get3A_56] : memref<64xi32, #tpu.memory_space<smem>>
      %dma_start3A = arith.constant 0 : i32
      %dma_start3A_58 = arith.constant 0 : i32
      %dma_start3A_59 = tpu.memref_slice %arg9[%dma_start3A_58] : memref<4x!tpu.dma_semaphore, #tpu.memory_space<semaphore_mem>> -> memref<1x!tpu.dma_semaphore, #tpu.memory_space<semaphore_mem>>
      %dma_start3A_60 = tpu.memref_squeeze %dma_start3A_59 : memref<1x!tpu.dma_semaphore, #tpu.memory_space<semaphore_mem>> -> memref<!tpu.dma_semaphore, #tpu.memory_space<semaphore_mem>>
      %dma_start3A_61 = arith.constant 0 : i32
      %dma_start3A_62 = arith.constant 0 : i32
      %dma_start3A_63 = tpu.memref_slice %arg8[%dma_start3A, %dma_start3A_61, %dma_start3A_62] : memref<4x512x1024xf32, #tpu.memory_space<vmem>> -> memref<1x512x1024xf32, #tpu.memory_space<vmem>>
      %dma_start3A_64 = tpu.memref_squeeze %dma_start3A_63 : memref<1x512x1024xf32, #tpu.memory_space<vmem>> -> memref<512x1024xf32, #tpu.memory_space<vmem>>
      %dma_start3A_65 = arith.constant 0 : i32
      %dma_start3A_66 = arith.constant 0 : i32
      %dma_start3A_67 = tpu.memref_slice %arg6[%get3A_57, %dma_start3A_65, %dma_start3A_66] : memref<64x1024x1024xf32, #tpu.memory_space<any>> -> memref<1x512x1024xf32, #tpu.memory_space<any>>
      %dma_start3A_68 = tpu.memref_squeeze %dma_start3A_67 : memref<1x512x1024xf32, #tpu.memory_space<any>> -> memref<512x1024xf32, #tpu.memory_space<any>>
      tpu.enqueue_dma source(%dma_start3A_68 : memref<512x1024xf32, #tpu.memory_space<any>>) target(%dma_start3A_64 : memref<512x1024xf32, #tpu.memory_space<vmem>>) target_semaphore(%dma_start3A_60 : memref<!tpu.dma_semaphore, #tpu.memory_space<semaphore_mem>>)
    } else {
    }
    %gt3A_4 = arith.constant 1 : i32
    %gt3A_5 = arith.cmpi sgt, %mul3A_1, %gt3A_4 : i32
    %convert_element_type3A_6 = arith.extui %gt3A_5 : i1 to i32
    %cond3A_7 = arith.constant 0 : i32
    %cond3A_8 = arith.cmpi ne, %convert_element_type3A_6, %cond3A_7 : i32
    scf.if %cond3A_8 {
      %get3A_56 = arith.constant 0 : index
      %get3A_57 = memref.load %arg1[%get3A_56] : memref<64xi32, #tpu.memory_space<smem>>
      %dma_start3A = arith.constant 1 : i32
      %dma_start3A_58 = arith.constant 1 : i32
      %dma_start3A_59 = tpu.memref_slice %arg9[%dma_start3A_58] : memref<4x!tpu.dma_semaphore, #tpu.memory_space<semaphore_mem>> -> memref<1x!tpu.dma_semaphore, #tpu.memory_space<semaphore_mem>>
      %dma_start3A_60 = tpu.memref_squeeze %dma_start3A_59 : memref<1x!tpu.dma_semaphore, #tpu.memory_space<semaphore_mem>> -> memref<!tpu.dma_semaphore, #tpu.memory_space<semaphore_mem>>
      %dma_start3A_61 = arith.constant 0 : i32
      %dma_start3A_62 = arith.constant 0 : i32
      %dma_start3A_63 = tpu.memref_slice %arg8[%dma_start3A, %dma_start3A_61, %dma_start3A_62] : memref<4x512x1024xf32, #tpu.memory_space<vmem>> -> memref<1x512x1024xf32, #tpu.memory_space<vmem>>
      %dma_start3A_64 = tpu.memref_squeeze %dma_start3A_63 : memref<1x512x1024xf32, #tpu.memory_space<vmem>> -> memref<512x1024xf32, #tpu.memory_space<vmem>>
      %dma_start3A_65 = arith.constant 512 : i32
      %dma_start3A_66 = arith.constant 0 : i32
      %dma_start3A_67 = tpu.memref_slice %arg6[%get3A_57, %dma_start3A_65, %dma_start3A_66] : memref<64x1024x1024xf32, #tpu.memory_space<any>> -> memref<1x512x1024xf32, #tpu.memory_space<any>>
      %dma_start3A_68 = tpu.memref_squeeze %dma_start3A_67 : memref<1x512x1024xf32, #tpu.memory_space<any>> -> memref<512x1024xf32, #tpu.memory_space<any>>
      tpu.enqueue_dma source(%dma_start3A_68 : memref<512x1024xf32, #tpu.memory_space<any>>) target(%dma_start3A_64 : memref<512x1024xf32, #tpu.memory_space<vmem>>) target_semaphore(%dma_start3A_60 : memref<!tpu.dma_semaphore, #tpu.memory_space<semaphore_mem>>)
    } else {
    }
    %gt3A_9 = arith.constant 2 : i32
    %gt3A_10 = arith.cmpi sgt, %mul3A_1, %gt3A_9 : i32
    %convert_element_type3A_11 = arith.extui %gt3A_10 : i1 to i32
    %cond3A_12 = arith.constant 0 : i32
    %cond3A_13 = arith.cmpi ne, %convert_element_type3A_11, %cond3A_12 : i32
    scf.if %cond3A_13 {
      %get3A_56 = arith.constant 1 : index
      %get3A_57 = memref.load %arg1[%get3A_56] : memref<64xi32, #tpu.memory_space<smem>>
      %dma_start3A = arith.constant 2 : i32
      %dma_start3A_58 = arith.constant 2 : i32
      %dma_start3A_59 = tpu.memref_slice %arg9[%dma_start3A_58] : memref<4x!tpu.dma_semaphore, #tpu.memory_space<semaphore_mem>> -> memref<1x!tpu.dma_semaphore, #tpu.memory_space<semaphore_mem>>
      %dma_start3A_60 = tpu.memref_squeeze %dma_start3A_59 : memref<1x!tpu.dma_semaphore, #tpu.memory_space<semaphore_mem>> -> memref<!tpu.dma_semaphore, #tpu.memory_space<semaphore_mem>>
      %dma_start3A_61 = arith.constant 0 : i32
      %dma_start3A_62 = arith.constant 0 : i32
      %dma_start3A_63 = tpu.memref_slice %arg8[%dma_start3A, %dma_start3A_61, %dma_start3A_62] : memref<4x512x1024xf32, #tpu.memory_space<vmem>> -> memref<1x512x1024xf32, #tpu.memory_space<vmem>>
      %dma_start3A_64 = tpu.memref_squeeze %dma_start3A_63 : memref<1x512x1024xf32, #tpu.memory_space<vmem>> -> memref<512x1024xf32, #tpu.memory_space<vmem>>
      %dma_start3A_65 = arith.constant 0 : i32
      %dma_start3A_66 = arith.constant 0 : i32
      %dma_start3A_67 = tpu.memref_slice %arg6[%get3A_57, %dma_start3A_65, %dma_start3A_66] : memref<64x1024x1024xf32, #tpu.memory_space<any>> -> memref<1x512x1024xf32, #tpu.memory_space<any>>
      %dma_start3A_68 = tpu.memref_squeeze %dma_start3A_67 : memref<1x512x1024xf32, #tpu.memory_space<any>> -> memref<512x1024xf32, #tpu.memory_space<any>>
      tpu.enqueue_dma source(%dma_start3A_68 : memref<512x1024xf32, #tpu.memory_space<any>>) target(%dma_start3A_64 : memref<512x1024xf32, #tpu.memory_space<vmem>>) target_semaphore(%dma_start3A_60 : memref<!tpu.dma_semaphore, #tpu.memory_space<semaphore_mem>>)
    } else {
    }
    %gt3A_14 = arith.constant 3 : i32
    %gt3A_15 = arith.cmpi sgt, %mul3A_1, %gt3A_14 : i32
    %convert_element_type3A_16 = arith.extui %gt3A_15 : i1 to i32
    %cond3A_17 = arith.constant 0 : i32
    %cond3A_18 = arith.cmpi ne, %convert_element_type3A_16, %cond3A_17 : i32
    scf.if %cond3A_18 {
      %get3A_56 = arith.constant 1 : index
      %get3A_57 = memref.load %arg1[%get3A_56] : memref<64xi32, #tpu.memory_space<smem>>
      %dma_start3A = arith.constant 3 : i32
      %dma_start3A_58 = arith.constant 3 : i32
      %dma_start3A_59 = tpu.memref_slice %arg9[%dma_start3A_58] : memref<4x!tpu.dma_semaphore, #tpu.memory_space<semaphore_mem>> -> memref<1x!tpu.dma_semaphore, #tpu.memory_space<semaphore_mem>>
      %dma_start3A_60 = tpu.memref_squeeze %dma_start3A_59 : memref<1x!tpu.dma_semaphore, #tpu.memory_space<semaphore_mem>> -> memref<!tpu.dma_semaphore, #tpu.memory_space<semaphore_mem>>
      %dma_start3A_61 = arith.constant 0 : i32
      %dma_start3A_62 = arith.constant 0 : i32
      %dma_start3A_63 = tpu.memref_slice %arg8[%dma_start3A, %dma_start3A_61, %dma_start3A_62] : memref<4x512x1024xf32, #tpu.memory_space<vmem>> -> memref<1x512x1024xf32, #tpu.memory_space<vmem>>
      %dma_start3A_64 = tpu.memref_squeeze %dma_start3A_63 : memref<1x512x1024xf32, #tpu.memory_space<vmem>> -> memref<512x1024xf32, #tpu.memory_space<vmem>>
      %dma_start3A_65 = arith.constant 512 : i32
      %dma_start3A_66 = arith.constant 0 : i32
      %dma_start3A_67 = tpu.memref_slice %arg6[%get3A_57, %dma_start3A_65, %dma_start3A_66] : memref<64x1024x1024xf32, #tpu.memory_space<any>> -> memref<1x512x1024xf32, #tpu.memory_space<any>>
      %dma_start3A_68 = tpu.memref_squeeze %dma_start3A_67 : memref<1x512x1024xf32, #tpu.memory_space<any>> -> memref<512x1024xf32, #tpu.memory_space<any>>
      tpu.enqueue_dma source(%dma_start3A_68 : memref<512x1024xf32, #tpu.memory_space<any>>) target(%dma_start3A_64 : memref<512x1024xf32, #tpu.memory_space<vmem>>) target_semaphore(%dma_start3A_60 : memref<!tpu.dma_semaphore, #tpu.memory_space<semaphore_mem>>)
    } else {
    }
    %get3A_19 = arith.constant 0 : index
    %get3A_20 = arith.constant 0 : index
    %get3A_21 = vector.load %arg4[%get3A_19, %get3A_20] : memref<32x64xf32, #tpu.memory_space<vmem>>, vector<32x64xf32>
    %get3A_22 = arith.constant 0 : index
    %get3A_23 = arith.constant 0 : index
    %get3A_24 = vector.load %arg5[%get3A_22, %get3A_23] : memref<64x1024xf32, #tpu.memory_space<vmem>>, vector<64x1024xf32>
    %dot_general3A = arith.constant dense<0.000000e+00> : vector<32x1024xf32>
    %dot_general3A_25 = tpu.matmul %get3A_21, %get3A_24, %dot_general3A {dimension_numbers = #tpu.dot_dimension_numbers<[1], [0], [0], [1], [0, 0, 1, 1], [], []>, transpose_lhs_hint = false} : vector<32x64xf32>, vector<64x1024xf32>, vector<32x1024xf32> -> vector<32x1024xf32>
    %swap3A = arith.constant 0 : index
    %swap3A_26 = arith.constant 0 : index
    %swap3A_27 = vector.load %arg7[%swap3A, %swap3A_26] : memref<32x1024xf32, #tpu.memory_space<vmem>>, vector<32x1024xf32>
    tpu.vector_store %arg7[%swap3A, %swap3A_26], %dot_general3A_25 {strides = array<i32>} : memref<32x1024xf32, #tpu.memory_space<vmem>>, vector<32x1024xf32>,
    %add3A = arith.constant 4 : i32
    %add3A_28 = arith.addi %mul3A_1, %add3A : i32
    %sub3A = arith.constant 1 : i32
    %sub3A_29 = arith.subi %add3A_28, %sub3A : i32
    %jit3A = arith.constant 4 : i32
    %div3A = arith.divsi %sub3A_29, %jit3A : i32
    %sign3A = arith.constant 0 : i32
    %sign3A_30 = arith.cmpi sgt, %sub3A_29, %sign3A : i32
    %sign3A_31 = arith.extui %sign3A_30 : i1 to i32
    %sign3A_32 = arith.constant 0 : i32
    %sign3A_33 = arith.cmpi slt, %sub3A_29, %sign3A_32 : i32
    %sign3A_34 = arith.extui %sign3A_33 : i1 to i32
    %sign3A_35 = arith.subi %sign3A_31, %sign3A_34 : i32
    %sign3A_36 = arith.constant 0 : i32
    %sign3A_37 = arith.cmpi sgt, %jit3A, %sign3A_36 : i32
    %sign3A_38 = arith.extui %sign3A_37 : i1 to i32
    %sign3A_39 = arith.constant 0 : i32
    %sign3A_40 = arith.cmpi slt, %jit3A, %sign3A_39 : i32
    %sign3A_41 = arith.extui %sign3A_40 : i1 to i32
    %sign3A_42 = arith.subi %sign3A_38, %sign3A_41 : i32
    %ne3A = arith.cmpi ne, %sign3A_35, %sign3A_42 : i32
    %rem3A = arith.remsi %sub3A_29, %jit3A : i32
    %ne3A_43 = arith.constant 0 : i32
    %ne3A_44 = arith.cmpi ne, %rem3A, %ne3A_43 : i32
    %and3A = arith.andi %ne3A, %ne3A_44 : i1
    %sub3A_45 = arith.constant 1 : i32
    %sub3A_46 = arith.subi %div3A, %sub3A_45 : i32
    %select_n3A = arith.select %and3A, %sub3A_46, %div3A : i32
    %while3A = arith.constant 0 : i32
    %while3A_47 = arith.constant 0 : i32
    %while3A_48 = arith.subi %select_n3A, %while3A_47 : i32
    %while3A_49 = arith.addi %while3A_47, %while3A_48 : i32
    %while3A_50 = arith.constant 1 : i32
    %while3A_51 = arith.divsi %while3A_48, %while3A_50 : i32
    %while3A_52 = arith.muli %while3A_51, %while3A_50 : i32
    %while3A_53 = arith.addi %while3A_47, %while3A_52 : i32
    %while3A_54 = arith.constant 1 : i32
    scf.for %while3A_56 = %while3A_47 to %while3A_53 step %while3A_54  : i32 {
      %mul3A_57 = arith.constant 4 : i32
      %mul3A_58 = arith.muli %while3A_56, %mul3A_57 : i32
      %jit3A_59 = arith.constant 2 : i32
      %div3A_60 = arith.divsi %mul3A_58, %jit3A_59 : i32
      %sign3A_61 = arith.constant 0 : i32
      %sign3A_62 = arith.cmpi sgt, %mul3A_58, %sign3A_61 : i32
      %sign3A_63 = arith.extui %sign3A_62 : i1 to i32
      %sign3A_64 = arith.constant 0 : i32
      %sign3A_65 = arith.cmpi slt, %mul3A_58, %sign3A_64 : i32
      %sign3A_66 = arith.extui %sign3A_65 : i1 to i32
      %sign3A_67 = arith.subi %sign3A_63, %sign3A_66 : i32
      %sign3A_68 = arith.constant 0 : i32
      %sign3A_69 = arith.cmpi sgt, %jit3A_59, %sign3A_68 : i32
      %sign3A_70 = arith.extui %sign3A_69 : i1 to i32
      %sign3A_71 = arith.constant 0 : i32
      %sign3A_72 = arith.cmpi slt, %jit3A_59, %sign3A_71 : i32
      %sign3A_73 = arith.extui %sign3A_72 : i1 to i32
      %sign3A_74 = arith.subi %sign3A_70, %sign3A_73 : i32
      %ne3A_75 = arith.cmpi ne, %sign3A_67, %sign3A_74 : i32
      %rem3A_76 = arith.remsi %mul3A_58, %jit3A_59 : i32
      %ne3A_77 = arith.constant 0 : i32
      %ne3A_78 = arith.cmpi ne, %rem3A_76, %ne3A_77 : i32
      %and3A_79 = arith.andi %ne3A_75, %ne3A_78 : i1
      %sub3A_80 = arith.constant 1 : i32
      %sub3A_81 = arith.subi %div3A_60, %sub3A_80 : i32
      %select_n3A_82 = arith.select %and3A_79, %sub3A_81, %div3A_60 : i32
      %add3A_83 = arith.constant 0 : i32
      %add3A_84 = arith.addi %select_n3A_82, %add3A_83 : i32
      %iota3A = tpu.iota {dimensions = array<i32: 0>} : vector<64x1xi32>
      %get3A_85 = arith.index_cast %add3A_84 : i32 to index
      %get3A_86 = memref.load %arg1[%get3A_85] : memref<64xi32, #tpu.memory_space<smem>>
      %eq3A = vector.broadcast %get3A_86 : i32 to vector<64x1xi32>
      %eq3A_87 = arith.cmpi eq, %iota3A, %eq3A : vector<64x1xi32>
      %convert_element_type3A_88 = arith.extui %eq3A_87 : vector<64x1xi1> to vector<64x1xi32>
      %convert_element_type3A_89 = arith.sitofp %convert_element_type3A_88 : vector<64x1xi32> to vector<64x1xf32>
      %get3A_90 = arith.constant 0 : index
      %get3A_91 = arith.constant 0 : index
      %get3A_92 = vector.load %arg4[%get3A_90, %get3A_91] : memref<32x64xf32, #tpu.memory_space<vmem>>, vector<32x64xf32>
      %dot_general3A_93 = arith.constant dense<0.000000e+00> : vector<32x1xf32>
      %dot_general3A_94 = tpu.matmul %get3A_92, %convert_element_type3A_89, %dot_general3A_93 {dimension_numbers = #tpu.dot_dimension_numbers<[1], [0], [0], [1], [0, 0, 1, 1], [], []>, transpose_lhs_hint = false} : vector<32x64xf32>, vector<64x1xf32>, vector<32x1xf32> -> vector<32x1xf32>
      %add3A_95 = arith.constant 0 : i32
      %add3A_96 = arith.addi %mul3A_58, %add3A_95 : i32
      %add3A_97 = arith.constant 0 : i32
      %add3A_98 = arith.addi %add3A_96, %add3A_97 : i32
      %lt3A = arith.cmpi slt, %add3A_98, %mul3A_1 : i32
      %convert_element_type3A_99 = arith.extui %lt3A : i1 to i32
      %cond3A_100 = arith.constant 0 : i32
      %cond3A_101 = arith.cmpi ne, %convert_element_type3A_99, %cond3A_100 : i32
      scf.if %cond3A_101 {
        %jit3A_238 = arith.constant 2 : i32
        %div3A_239 = arith.divsi %add3A_98, %jit3A_238 : i32
        %sign3A_240 = arith.constant 0 : i32
        %sign3A_241 = arith.cmpi sgt, %add3A_98, %sign3A_240 : i32
        %sign3A_242 = arith.extui %sign3A_241 : i1 to i32
        %sign3A_243 = arith.constant 0 : i32
        %sign3A_244 = arith.cmpi slt, %add3A_98, %sign3A_243 : i32
        %sign3A_245 = arith.extui %sign3A_244 : i1 to i32
        %sign3A_246 = arith.subi %sign3A_242, %sign3A_245 : i32
        %sign3A_247 = arith.constant 0 : i32
        %sign3A_248 = arith.cmpi sgt, %jit3A_238, %sign3A_247 : i32
        %sign3A_249 = arith.extui %sign3A_248 : i1 to i32
        %sign3A_250 = arith.constant 0 : i32
        %sign3A_251 = arith.cmpi slt, %jit3A_238, %sign3A_250 : i32
        %sign3A_252 = arith.extui %sign3A_251 : i1 to i32
        %sign3A_253 = arith.subi %sign3A_249, %sign3A_252 : i32
        %ne3A_254 = arith.cmpi ne, %sign3A_246, %sign3A_253 : i32
        %rem3A_255 = arith.remsi %add3A_98, %jit3A_238 : i32
        %ne3A_256 = arith.constant 0 : i32
        %ne3A_257 = arith.cmpi ne, %rem3A_255, %ne3A_256 : i32
        %and3A_258 = arith.andi %ne3A_254, %ne3A_257 : i1
        %sub3A_259 = arith.constant 1 : i32
        %sub3A_260 = arith.subi %div3A_239, %sub3A_259 : i32
        %select_n3A_261 = arith.select %and3A_258, %sub3A_260, %div3A_239 : i32
        %get3A_262 = arith.index_cast %select_n3A_261 : i32 to index
        %get3A_263 = memref.load %arg1[%get3A_262] : memref<64xi32, #tpu.memory_space<smem>>
        %dma_wait3A = arith.constant 0 : i32
        %dma_wait3A_264 = arith.constant 0 : i32
        %dma_wait3A_265 = tpu.memref_slice %arg9[%dma_wait3A_264] : memref<4x!tpu.dma_semaphore, #tpu.memory_space<semaphore_mem>> -> memref<1x!tpu.dma_semaphore, #tpu.memory_space<semaphore_mem>>
        %dma_wait3A_266 = tpu.memref_squeeze %dma_wait3A_265 : memref<1x!tpu.dma_semaphore, #tpu.memory_space<semaphore_mem>> -> memref<!tpu.dma_semaphore, #tpu.memory_space<semaphore_mem>>
        %dma_wait3A_267 = arith.constant 0 : i32
        %dma_wait3A_268 = arith.constant 0 : i32
        %dma_wait3A_269 = tpu.memref_slice %arg8[%dma_wait3A, %dma_wait3A_267, %dma_wait3A_268] : memref<4x512x1024xf32, #tpu.memory_space<vmem>> -> memref<1x512x1024xf32, #tpu.memory_space<vmem>>
        %dma_wait3A_270 = tpu.memref_squeeze %dma_wait3A_269 : memref<1x512x1024xf32, #tpu.memory_space<vmem>> -> memref<512x1024xf32, #tpu.memory_space<vmem>>
        %dma_wait3A_271 = arith.constant 0 : i32
        %dma_wait3A_272 = arith.constant 0 : i32
        %dma_wait3A_273 = tpu.memref_slice %arg6[%get3A_263, %dma_wait3A_271, %dma_wait3A_272] : memref<64x1024x1024xf32, #tpu.memory_space<any>> -> memref<1x512x1024xf32, #tpu.memory_space<any>>
        %dma_wait3A_274 = tpu.memref_squeeze %dma_wait3A_273 : memref<1x512x1024xf32, #tpu.memory_space<any>> -> memref<512x1024xf32, #tpu.memory_space<any>>
        tpu.wait_dma2 semaphore(%dma_wait3A_266 : memref<!tpu.dma_semaphore, #tpu.memory_space<semaphore_mem>>) src(%dma_wait3A_274 : memref<512x1024xf32, #tpu.memory_space<any>>) dst(%dma_wait3A_270 : memref<512x1024xf32, #tpu.memory_space<vmem>>)
      } else {
      }
      %get3A_102 = arith.constant 0 : index
      %get3A_103 = arith.constant 0 : index
      %get3A_104 = vector.load %arg3[%get3A_102, %get3A_103] : memref<32x1024xf32, #tpu.memory_space<vmem>>, vector<32x512xf32>
      %get3A_105 = arith.constant 0 : index
      %get3A_106 = arith.constant 0 : index
      %get3A_107 = arith.constant 0 : index
      %get3A_108 = vector.load %arg8[%get3A_105, %get3A_106, %get3A_107] : memref<4x512x1024xf32, #tpu.memory_space<vmem>>, vector<1x512x1024xf32>
      %get3A_109 = vector.shape_cast %get3A_108 : vector<1x512x1024xf32> to vector<512x1024xf32>
      %dot_general3A_110 = arith.constant dense<0.000000e+00> : vector<32x1024xf32>
      %dot_general3A_111 = tpu.matmul %get3A_104, %get3A_109, %dot_general3A_110 {dimension_numbers = #tpu.dot_dimension_numbers<[1], [0], [0], [1], [0, 0, 1, 1], [], []>, transpose_lhs_hint = false} : vector<32x512xf32>, vector<512x1024xf32>, vector<32x1024xf32> -> vector<32x1024xf32>
      %add3A_112 = arith.constant 4 : i32
      %add3A_113 = arith.addi %add3A_98, %add3A_112 : i32
      %lt3A_114 = arith.cmpi slt, %add3A_113, %mul3A_1 : i32
      %convert_element_type3A_115 = arith.extui %lt3A_114 : i1 to i32
      %cond3A_116 = arith.constant 0 : i32
      %cond3A_117 = arith.cmpi ne, %convert_element_type3A_115, %cond3A_116 : i32
      scf.if %cond3A_117 {
        %add3A_238 = arith.constant 4 : i32
        %add3A_239 = arith.addi %add3A_98, %add3A_238 : i32
        %jit3A_240 = arith.constant 2 : i32
        %div3A_241 = arith.divsi %add3A_239, %jit3A_240 : i32
        %sign3A_242 = arith.constant 0 : i32
        %sign3A_243 = arith.cmpi sgt, %add3A_239, %sign3A_242 : i32
        %sign3A_244 = arith.extui %sign3A_243 : i1 to i32
        %sign3A_245 = arith.constant 0 : i32
        %sign3A_246 = arith.cmpi slt, %add3A_239, %sign3A_245 : i32
        %sign3A_247 = arith.extui %sign3A_246 : i1 to i32
        %sign3A_248 = arith.subi %sign3A_244, %sign3A_247 : i32
        %sign3A_249 = arith.constant 0 : i32
        %sign3A_250 = arith.cmpi sgt, %jit3A_240, %sign3A_249 : i32
        %sign3A_251 = arith.extui %sign3A_250 : i1 to i32
        %sign3A_252 = arith.constant 0 : i32
        %sign3A_253 = arith.cmpi slt, %jit3A_240, %sign3A_252 : i32
        %sign3A_254 = arith.extui %sign3A_253 : i1 to i32
        %sign3A_255 = arith.subi %sign3A_251, %sign3A_254 : i32
        %ne3A_256 = arith.cmpi ne, %sign3A_248, %sign3A_255 : i32
        %rem3A_257 = arith.remsi %add3A_239, %jit3A_240 : i32
        %ne3A_258 = arith.constant 0 : i32
        %ne3A_259 = arith.cmpi ne, %rem3A_257, %ne3A_258 : i32
        %and3A_260 = arith.andi %ne3A_256, %ne3A_259 : i1
        %sub3A_261 = arith.constant 1 : i32
        %sub3A_262 = arith.subi %div3A_241, %sub3A_261 : i32
        %select_n3A_263 = arith.select %and3A_260, %sub3A_262, %div3A_241 : i32
        %get3A_264 = arith.index_cast %select_n3A_263 : i32 to index
        %get3A_265 = memref.load %arg1[%get3A_264] : memref<64xi32, #tpu.memory_space<smem>>
        %dma_start3A = arith.constant 0 : i32
        %dma_start3A_266 = arith.constant 0 : i32
        %dma_start3A_267 = tpu.memref_slice %arg9[%dma_start3A_266] : memref<4x!tpu.dma_semaphore, #tpu.memory_space<semaphore_mem>> -> memref<1x!tpu.dma_semaphore, #tpu.memory_space<semaphore_mem>>
        %dma_start3A_268 = tpu.memref_squeeze %dma_start3A_267 : memref<1x!tpu.dma_semaphore, #tpu.memory_space<semaphore_mem>> -> memref<!tpu.dma_semaphore, #tpu.memory_space<semaphore_mem>>
        %dma_start3A_269 = arith.constant 0 : i32
        %dma_start3A_270 = arith.constant 0 : i32
        %dma_start3A_271 = tpu.memref_slice %arg8[%dma_start3A, %dma_start3A_269, %dma_start3A_270] : memref<4x512x1024xf32, #tpu.memory_space<vmem>> -> memref<1x512x1024xf32, #tpu.memory_space<vmem>>
        %dma_start3A_272 = tpu.memref_squeeze %dma_start3A_271 : memref<1x512x1024xf32, #tpu.memory_space<vmem>> -> memref<512x1024xf32, #tpu.memory_space<vmem>>
        %dma_start3A_273 = arith.constant 0 : i32
        %dma_start3A_274 = arith.constant 0 : i32
        %dma_start3A_275 = tpu.memref_slice %arg6[%get3A_265, %dma_start3A_273, %dma_start3A_274] : memref<64x1024x1024xf32, #tpu.memory_space<any>> -> memref<1x512x1024xf32, #tpu.memory_space<any>>
        %dma_start3A_276 = tpu.memref_squeeze %dma_start3A_275 : memref<1x512x1024xf32, #tpu.memory_space<any>> -> memref<512x1024xf32, #tpu.memory_space<any>>
        tpu.enqueue_dma source(%dma_start3A_276 : memref<512x1024xf32, #tpu.memory_space<any>>) target(%dma_start3A_272 : memref<512x1024xf32, #tpu.memory_space<vmem>>) target_semaphore(%dma_start3A_268 : memref<!tpu.dma_semaphore, #tpu.memory_space<semaphore_mem>>)
      } else {
      }
      %add3A_118 = arith.constant 0 : i32
      %add3A_119 = arith.addi %mul3A_58, %add3A_118 : i32
      %add3A_120 = arith.constant 1 : i32
      %add3A_121 = arith.addi %add3A_119, %add3A_120 : i32
      %lt3A_122 = arith.cmpi slt, %add3A_121, %mul3A_1 : i32
      %convert_element_type3A_123 = arith.extui %lt3A_122 : i1 to i32
      %cond3A_124 = arith.constant 0 : i32
      %cond3A_125 = arith.cmpi ne, %convert_element_type3A_123, %cond3A_124 : i32
      scf.if %cond3A_125 {
        %jit3A_238 = arith.constant 2 : i32
        %div3A_239 = arith.divsi %add3A_121, %jit3A_238 : i32
        %sign3A_240 = arith.constant 0 : i32
        %sign3A_241 = arith.cmpi sgt, %add3A_121, %sign3A_240 : i32
        %sign3A_242 = arith.extui %sign3A_241 : i1 to i32
        %sign3A_243 = arith.constant 0 : i32
        %sign3A_244 = arith.cmpi slt, %add3A_121, %sign3A_243 : i32
        %sign3A_245 = arith.extui %sign3A_244 : i1 to i32
        %sign3A_246 = arith.subi %sign3A_242, %sign3A_245 : i32
        %sign3A_247 = arith.constant 0 : i32
        %sign3A_248 = arith.cmpi sgt, %jit3A_238, %sign3A_247 : i32
        %sign3A_249 = arith.extui %sign3A_248 : i1 to i32
        %sign3A_250 = arith.constant 0 : i32
        %sign3A_251 = arith.cmpi slt, %jit3A_238, %sign3A_250 : i32
        %sign3A_252 = arith.extui %sign3A_251 : i1 to i32
        %sign3A_253 = arith.subi %sign3A_249, %sign3A_252 : i32
        %ne3A_254 = arith.cmpi ne, %sign3A_246, %sign3A_253 : i32
        %rem3A_255 = arith.remsi %add3A_121, %jit3A_238 : i32
        %ne3A_256 = arith.constant 0 : i32
        %ne3A_257 = arith.cmpi ne, %rem3A_255, %ne3A_256 : i32
        %and3A_258 = arith.andi %ne3A_254, %ne3A_257 : i1
        %sub3A_259 = arith.constant 1 : i32
        %sub3A_260 = arith.subi %div3A_239, %sub3A_259 : i32
        %select_n3A_261 = arith.select %and3A_258, %sub3A_260, %div3A_239 : i32
        %get3A_262 = arith.index_cast %select_n3A_261 : i32 to index
        %get3A_263 = memref.load %arg1[%get3A_262] : memref<64xi32, #tpu.memory_space<smem>>
        %dma_wait3A = arith.constant 1 : i32
        %dma_wait3A_264 = arith.constant 1 : i32
        %dma_wait3A_265 = tpu.memref_slice %arg9[%dma_wait3A_264] : memref<4x!tpu.dma_semaphore, #tpu.memory_space<semaphore_mem>> -> memref<1x!tpu.dma_semaphore, #tpu.memory_space<semaphore_mem>>
        %dma_wait3A_266 = tpu.memref_squeeze %dma_wait3A_265 : memref<1x!tpu.dma_semaphore, #tpu.memory_space<semaphore_mem>> -> memref<!tpu.dma_semaphore, #tpu.memory_space<semaphore_mem>>
        %dma_wait3A_267 = arith.constant 0 : i32
        %dma_wait3A_268 = arith.constant 0 : i32
        %dma_wait3A_269 = tpu.memref_slice %arg8[%dma_wait3A, %dma_wait3A_267, %dma_wait3A_268] : memref<4x512x1024xf32, #tpu.memory_space<vmem>> -> memref<1x512x1024xf32, #tpu.memory_space<vmem>>
        %dma_wait3A_270 = tpu.memref_squeeze %dma_wait3A_269 : memref<1x512x1024xf32, #tpu.memory_space<vmem>> -> memref<512x1024xf32, #tpu.memory_space<vmem>>
        %dma_wait3A_271 = arith.constant 512 : i32
        %dma_wait3A_272 = arith.constant 0 : i32
        %dma_wait3A_273 = tpu.memref_slice %arg6[%get3A_263, %dma_wait3A_271, %dma_wait3A_272] : memref<64x1024x1024xf32, #tpu.memory_space<any>> -> memref<1x512x1024xf32, #tpu.memory_space<any>>
        %dma_wait3A_274 = tpu.memref_squeeze %dma_wait3A_273 : memref<1x512x1024xf32, #tpu.memory_space<any>> -> memref<512x1024xf32, #tpu.memory_space<any>>
        tpu.wait_dma2 semaphore(%dma_wait3A_266 : memref<!tpu.dma_semaphore, #tpu.memory_space<semaphore_mem>>) src(%dma_wait3A_274 : memref<512x1024xf32, #tpu.memory_space<any>>) dst(%dma_wait3A_270 : memref<512x1024xf32, #tpu.memory_space<vmem>>)
      } else {
      }
      %get3A_126 = arith.constant 0 : index
      %get3A_127 = arith.constant 512 : index
      %get3A_128 = vector.load %arg3[%get3A_126, %get3A_127] : memref<32x1024xf32, #tpu.memory_space<vmem>>, vector<32x512xf32>
      %get3A_129 = arith.constant 1 : index
      %get3A_130 = arith.constant 0 : index
      %get3A_131 = arith.constant 0 : index
      %get3A_132 = vector.load %arg8[%get3A_129, %get3A_130, %get3A_131] : memref<4x512x1024xf32, #tpu.memory_space<vmem>>, vector<1x512x1024xf32>
      %get3A_133 = vector.shape_cast %get3A_132 : vector<1x512x1024xf32> to vector<512x1024xf32>
      %dot_general3A_134 = arith.constant dense<0.000000e+00> : vector<32x1024xf32>
      %dot_general3A_135 = tpu.matmul %get3A_128, %get3A_133, %dot_general3A_134 {dimension_numbers = #tpu.dot_dimension_numbers<[1], [0], [0], [1], [0, 0, 1, 1], [], []>, transpose_lhs_hint = false} : vector<32x512xf32>, vector<512x1024xf32>, vector<32x1024xf32> -> vector<32x1024xf32>
      %add3A_136 = arith.addf %dot_general3A_111, %dot_general3A_135 : vector<32x1024xf32>
      %add3A_137 = arith.constant 4 : i32
      %add3A_138 = arith.addi %add3A_121, %add3A_137 : i32
      %lt3A_139 = arith.cmpi slt, %add3A_138, %mul3A_1 : i32
      %convert_element_type3A_140 = arith.extui %lt3A_139 : i1 to i32
      %cond3A_141 = arith.constant 0 : i32
      %cond3A_142 = arith.cmpi ne, %convert_element_type3A_140, %cond3A_141 : i32
      scf.if %cond3A_142 {
        %add3A_238 = arith.constant 4 : i32
        %add3A_239 = arith.addi %add3A_121, %add3A_238 : i32
        %jit3A_240 = arith.constant 2 : i32
        %div3A_241 = arith.divsi %add3A_239, %jit3A_240 : i32
        %sign3A_242 = arith.constant 0 : i32
        %sign3A_243 = arith.cmpi sgt, %add3A_239, %sign3A_242 : i32
        %sign3A_244 = arith.extui %sign3A_243 : i1 to i32
        %sign3A_245 = arith.constant 0 : i32
        %sign3A_246 = arith.cmpi slt, %add3A_239, %sign3A_245 : i32
        %sign3A_247 = arith.extui %sign3A_246 : i1 to i32
        %sign3A_248 = arith.subi %sign3A_244, %sign3A_247 : i32
        %sign3A_249 = arith.constant 0 : i32
        %sign3A_250 = arith.cmpi sgt, %jit3A_240, %sign3A_249 : i32
        %sign3A_251 = arith.extui %sign3A_250 : i1 to i32
        %sign3A_252 = arith.constant 0 : i32
        %sign3A_253 = arith.cmpi slt, %jit3A_240, %sign3A_252 : i32
        %sign3A_254 = arith.extui %sign3A_253 : i1 to i32
        %sign3A_255 = arith.subi %sign3A_251, %sign3A_254 : i32
        %ne3A_256 = arith.cmpi ne, %sign3A_248, %sign3A_255 : i32
        %rem3A_257 = arith.remsi %add3A_239, %jit3A_240 : i32
        %ne3A_258 = arith.constant 0 : i32
        %ne3A_259 = arith.cmpi ne, %rem3A_257, %ne3A_258 : i32
        %and3A_260 = arith.andi %ne3A_256, %ne3A_259 : i1
        %sub3A_261 = arith.constant 1 : i32
        %sub3A_262 = arith.subi %div3A_241, %sub3A_261 : i32
        %select_n3A_263 = arith.select %and3A_260, %sub3A_262, %div3A_241 : i32
        %get3A_264 = arith.index_cast %select_n3A_263 : i32 to index
        %get3A_265 = memref.load %arg1[%get3A_264] : memref<64xi32, #tpu.memory_space<smem>>
        %dma_start3A = arith.constant 1 : i32
        %dma_start3A_266 = arith.constant 1 : i32
        %dma_start3A_267 = tpu.memref_slice %arg9[%dma_start3A_266] : memref<4x!tpu.dma_semaphore, #tpu.memory_space<semaphore_mem>> -> memref<1x!tpu.dma_semaphore, #tpu.memory_space<semaphore_mem>>
        %dma_start3A_268 = tpu.memref_squeeze %dma_start3A_267 : memref<1x!tpu.dma_semaphore, #tpu.memory_space<semaphore_mem>> -> memref<!tpu.dma_semaphore, #tpu.memory_space<semaphore_mem>>
        %dma_start3A_269 = arith.constant 0 : i32
        %dma_start3A_270 = arith.constant 0 : i32
        %dma_start3A_271 = tpu.memref_slice %arg8[%dma_start3A, %dma_start3A_269, %dma_start3A_270] : memref<4x512x1024xf32, #tpu.memory_space<vmem>> -> memref<1x512x1024xf32, #tpu.memory_space<vmem>>
        %dma_start3A_272 = tpu.memref_squeeze %dma_start3A_271 : memref<1x512x1024xf32, #tpu.memory_space<vmem>> -> memref<512x1024xf32, #tpu.memory_space<vmem>>
        %dma_start3A_273 = arith.constant 512 : i32
        %dma_start3A_274 = arith.constant 0 : i32
        %dma_start3A_275 = tpu.memref_slice %arg6[%get3A_265, %dma_start3A_273, %dma_start3A_274] : memref<64x1024x1024xf32, #tpu.memory_space<any>> -> memref<1x512x1024xf32, #tpu.memory_space<any>>
        %dma_start3A_276 = tpu.memref_squeeze %dma_start3A_275 : memref<1x512x1024xf32, #tpu.memory_space<any>> -> memref<512x1024xf32, #tpu.memory_space<any>>
        tpu.enqueue_dma source(%dma_start3A_276 : memref<512x1024xf32, #tpu.memory_space<any>>) target(%dma_start3A_272 : memref<512x1024xf32, #tpu.memory_space<vmem>>) target_semaphore(%dma_start3A_268 : memref<!tpu.dma_semaphore, #tpu.memory_space<semaphore_mem>>)
      } else {
      }
      %lt3A_143 = arith.cmpi slt, %add3A_84, %get3A_0 : i32
      %convert_element_type3A_144 = arith.extui %lt3A_143 : i1 to i32
      %cond3A_145 = arith.constant 0 : i32
      %cond3A_146 = arith.cmpi ne, %convert_element_type3A_144, %cond3A_145 : i32
      scf.if %cond3A_146 {
        %get3A_238 = arith.constant 0 : index
        %get3A_239 = arith.constant 0 : index
        %get3A_240 = vector.load %arg7[%get3A_238, %get3A_239] : memref<32x1024xf32, #tpu.memory_space<vmem>>, vector<32x1024xf32>
        %mul3A_241 = vector.broadcast %dot_general3A_94 : vector<32x1xf32> to vector<32x1024xf32>
        %mul3A_242 = arith.mulf %add3A_136, %mul3A_241 : vector<32x1024xf32>
        %add3A_243 = arith.addf %get3A_240, %mul3A_242 : vector<32x1024xf32>
        %swap3A_244 = arith.constant 0 : index
        %swap3A_245 = arith.constant 0 : index
        %swap3A_246 = vector.load %arg7[%swap3A_244, %swap3A_245] : memref<32x1024xf32, #tpu.memory_space<vmem>>, vector<32x1024xf32>
        tpu.vector_store %arg7[%swap3A_244, %swap3A_245], %add3A_243 {strides = array<i32>} : memref<32x1024xf32, #tpu.memory_space<vmem>>, vector<32x1024xf32>,
      } else {
      }
      %jit3A_147 = arith.constant 2 : i32
      %div3A_148 = arith.divsi %mul3A_58, %jit3A_147 : i32
      %sign3A_149 = arith.constant 0 : i32
      %sign3A_150 = arith.cmpi sgt, %mul3A_58, %sign3A_149 : i32
      %sign3A_151 = arith.extui %sign3A_150 : i1 to i32
      %sign3A_152 = arith.constant 0 : i32
      %sign3A_153 = arith.cmpi slt, %mul3A_58, %sign3A_152 : i32
      %sign3A_154 = arith.extui %sign3A_153 : i1 to i32
      %sign3A_155 = arith.subi %sign3A_151, %sign3A_154 : i32
      %sign3A_156 = arith.constant 0 : i32
      %sign3A_157 = arith.cmpi sgt, %jit3A_147, %sign3A_156 : i32
      %sign3A_158 = arith.extui %sign3A_157 : i1 to i32
      %sign3A_159 = arith.constant 0 : i32
      %sign3A_160 = arith.cmpi slt, %jit3A_147, %sign3A_159 : i32
      %sign3A_161 = arith.extui %sign3A_160 : i1 to i32
      %sign3A_162 = arith.subi %sign3A_158, %sign3A_161 : i32
      %ne3A_163 = arith.cmpi ne, %sign3A_155, %sign3A_162 : i32
      %rem3A_164 = arith.remsi %mul3A_58, %jit3A_147 : i32
      %ne3A_165 = arith.constant 0 : i32
      %ne3A_166 = arith.cmpi ne, %rem3A_164, %ne3A_165 : i32
      %and3A_167 = arith.andi %ne3A_163, %ne3A_166 : i1
      %sub3A_168 = arith.constant 1 : i32
      %sub3A_169 = arith.subi %div3A_148, %sub3A_168 : i32
      %select_n3A_170 = arith.select %and3A_167, %sub3A_169, %div3A_148 : i32
      %add3A_171 = arith.constant 1 : i32
      %add3A_172 = arith.addi %select_n3A_170, %add3A_171 : i32
      %iota3A_173 = tpu.iota {dimensions = array<i32: 0>} : vector<64x1xi32>
      %get3A_174 = arith.index_cast %add3A_172 : i32 to index
      %get3A_175 = memref.load %arg1[%get3A_174] : memref<64xi32, #tpu.memory_space<smem>>
      %eq3A_176 = vector.broadcast %get3A_175 : i32 to vector<64x1xi32>
      %eq3A_177 = arith.cmpi eq, %iota3A_173, %eq3A_176 : vector<64x1xi32>
      %convert_element_type3A_178 = arith.extui %eq3A_177 : vector<64x1xi1> to vector<64x1xi32>
      %convert_element_type3A_179 = arith.sitofp %convert_element_type3A_178 : vector<64x1xi32> to vector<64x1xf32>
      %get3A_180 = arith.constant 0 : index
      %get3A_181 = arith.constant 0 : index
      %get3A_182 = vector.load %arg4[%get3A_180, %get3A_181] : memref<32x64xf32, #tpu.memory_space<vmem>>, vector<32x64xf32>
      %dot_general3A_183 = arith.constant dense<0.000000e+00> : vector<32x1xf32>
      %dot_general3A_184 = tpu.matmul %get3A_182, %convert_element_type3A_179, %dot_general3A_183 {dimension_numbers = #tpu.dot_dimension_numbers<[1], [0], [0], [1], [0, 0, 1, 1], [], []>, transpose_lhs_hint = false} : vector<32x64xf32>, vector<64x1xf32>, vector<32x1xf32> -> vector<32x1xf32>
      %add3A_185 = arith.constant 2 : i32
      %add3A_186 = arith.addi %mul3A_58, %add3A_185 : i32
      %add3A_187 = arith.constant 0 : i32
      %add3A_188 = arith.addi %add3A_186, %add3A_187 : i32
      %lt3A_189 = arith.cmpi slt, %add3A_188, %mul3A_1 : i32
      %convert_element_type3A_190 = arith.extui %lt3A_189 : i1 to i32
      %cond3A_191 = arith.constant 0 : i32
      %cond3A_192 = arith.cmpi ne, %convert_element_type3A_190, %cond3A_191 : i32
      scf.if %cond3A_192 {
        %jit3A_238 = arith.constant 2 : i32
        %div3A_239 = arith.divsi %add3A_188, %jit3A_238 : i32
        %sign3A_240 = arith.constant 0 : i32
        %sign3A_241 = arith.cmpi sgt, %add3A_188, %sign3A_240 : i32
        %sign3A_242 = arith.extui %sign3A_241 : i1 to i32
        %sign3A_243 = arith.constant 0 : i32
        %sign3A_244 = arith.cmpi slt, %add3A_188, %sign3A_243 : i32
        %sign3A_245 = arith.extui %sign3A_244 : i1 to i32
        %sign3A_246 = arith.subi %sign3A_242, %sign3A_245 : i32
        %sign3A_247 = arith.constant 0 : i32
        %sign3A_248 = arith.cmpi sgt, %jit3A_238, %sign3A_247 : i32
        %sign3A_249 = arith.extui %sign3A_248 : i1 to i32
        %sign3A_250 = arith.constant 0 : i32
        %sign3A_251 = arith.cmpi slt, %jit3A_238, %sign3A_250 : i32
        %sign3A_252 = arith.extui %sign3A_251 : i1 to i32
        %sign3A_253 = arith.subi %sign3A_249, %sign3A_252 : i32
        %ne3A_254 = arith.cmpi ne, %sign3A_246, %sign3A_253 : i32
        %rem3A_255 = arith.remsi %add3A_188, %jit3A_238 : i32
        %ne3A_256 = arith.constant 0 : i32
        %ne3A_257 = arith.cmpi ne, %rem3A_255, %ne3A_256 : i32
        %and3A_258 = arith.andi %ne3A_254, %ne3A_257 : i1
        %sub3A_259 = arith.constant 1 : i32
        %sub3A_260 = arith.subi %div3A_239, %sub3A_259 : i32
        %select_n3A_261 = arith.select %and3A_258, %sub3A_260, %div3A_239 : i32
        %get3A_262 = arith.index_cast %select_n3A_261 : i32 to index
        %get3A_263 = memref.load %arg1[%get3A_262] : memref<64xi32, #tpu.memory_space<smem>>
        %dma_wait3A = arith.constant 2 : i32
        %dma_wait3A_264 = arith.constant 2 : i32
        %dma_wait3A_265 = tpu.memref_slice %arg9[%dma_wait3A_264] : memref<4x!tpu.dma_semaphore, #tpu.memory_space<semaphore_mem>> -> memref<1x!tpu.dma_semaphore, #tpu.memory_space<semaphore_mem>>
        %dma_wait3A_266 = tpu.memref_squeeze %dma_wait3A_265 : memref<1x!tpu.dma_semaphore, #tpu.memory_space<semaphore_mem>> -> memref<!tpu.dma_semaphore, #tpu.memory_space<semaphore_mem>>
        %dma_wait3A_267 = arith.constant 0 : i32
        %dma_wait3A_268 = arith.constant 0 : i32
        %dma_wait3A_269 = tpu.memref_slice %arg8[%dma_wait3A, %dma_wait3A_267, %dma_wait3A_268] : memref<4x512x1024xf32, #tpu.memory_space<vmem>> -> memref<1x512x1024xf32, #tpu.memory_space<vmem>>
        %dma_wait3A_270 = tpu.memref_squeeze %dma_wait3A_269 : memref<1x512x1024xf32, #tpu.memory_space<vmem>> -> memref<512x1024xf32, #tpu.memory_space<vmem>>
        %dma_wait3A_271 = arith.constant 0 : i32
        %dma_wait3A_272 = arith.constant 0 : i32
        %dma_wait3A_273 = tpu.memref_slice %arg6[%get3A_263, %dma_wait3A_271, %dma_wait3A_272] : memref<64x1024x1024xf32, #tpu.memory_space<any>> -> memref<1x512x1024xf32, #tpu.memory_space<any>>
        %dma_wait3A_274 = tpu.memref_squeeze %dma_wait3A_273 : memref<1x512x1024xf32, #tpu.memory_space<any>> -> memref<512x1024xf32, #tpu.memory_space<any>>
        tpu.wait_dma2 semaphore(%dma_wait3A_266 : memref<!tpu.dma_semaphore, #tpu.memory_space<semaphore_mem>>) src(%dma_wait3A_274 : memref<512x1024xf32, #tpu.memory_space<any>>) dst(%dma_wait3A_270 : memref<512x1024xf32, #tpu.memory_space<vmem>>)
      } else {
      }
      %get3A_193 = arith.constant 0 : index
      %get3A_194 = arith.constant 0 : index
      %get3A_195 = vector.load %arg3[%get3A_193, %get3A_194] : memref<32x1024xf32, #tpu.memory_space<vmem>>, vector<32x512xf32>
      %get3A_196 = arith.constant 2 : index
      %get3A_197 = arith.constant 0 : index
      %get3A_198 = arith.constant 0 : index
      %get3A_199 = vector.load %arg8[%get3A_196, %get3A_197, %get3A_198] : memref<4x512x1024xf32, #tpu.memory_space<vmem>>, vector<1x512x1024xf32>
      %get3A_200 = vector.shape_cast %get3A_199 : vector<1x512x1024xf32> to vector<512x1024xf32>
      %dot_general3A_201 = arith.constant dense<0.000000e+00> : vector<32x1024xf32>
      %dot_general3A_202 = tpu.matmul %get3A_195, %get3A_200, %dot_general3A_201 {dimension_numbers = #tpu.dot_dimension_numbers<[1], [0], [0], [1], [0, 0, 1, 1], [], []>, transpose_lhs_hint = false} : vector<32x512xf32>, vector<512x1024xf32>, vector<32x1024xf32> -> vector<32x1024xf32>
      %add3A_203 = arith.constant 4 : i32
      %add3A_204 = arith.addi %add3A_188, %add3A_203 : i32
      %lt3A_205 = arith.cmpi slt, %add3A_204, %mul3A_1 : i32
      %convert_element_type3A_206 = arith.extui %lt3A_205 : i1 to i32
      %cond3A_207 = arith.constant 0 : i32
      %cond3A_208 = arith.cmpi ne, %convert_element_type3A_206, %cond3A_207 : i32
      scf.if %cond3A_208 {
        %add3A_238 = arith.constant 4 : i32
        %add3A_239 = arith.addi %add3A_188, %add3A_238 : i32
        %jit3A_240 = arith.constant 2 : i32
        %div3A_241 = arith.divsi %add3A_239, %jit3A_240 : i32
        %sign3A_242 = arith.constant 0 : i32
        %sign3A_243 = arith.cmpi sgt, %add3A_239, %sign3A_242 : i32
        %sign3A_244 = arith.extui %sign3A_243 : i1 to i32
        %sign3A_245 = arith.constant 0 : i32
        %sign3A_246 = arith.cmpi slt, %add3A_239, %sign3A_245 : i32
        %sign3A_247 = arith.extui %sign3A_246 : i1 to i32
        %sign3A_248 = arith.subi %sign3A_244, %sign3A_247 : i32
        %sign3A_249 = arith.constant 0 : i32
        %sign3A_250 = arith.cmpi sgt, %jit3A_240, %sign3A_249 : i32
        %sign3A_251 = arith.extui %sign3A_250 : i1 to i32
        %sign3A_252 = arith.constant 0 : i32
        %sign3A_253 = arith.cmpi slt, %jit3A_240, %sign3A_252 : i32
        %sign3A_254 = arith.extui %sign3A_253 : i1 to i32
        %sign3A_255 = arith.subi %sign3A_251, %sign3A_254 : i32
        %ne3A_256 = arith.cmpi ne, %sign3A_248, %sign3A_255 : i32
        %rem3A_257 = arith.remsi %add3A_239, %jit3A_240 : i32
        %ne3A_258 = arith.constant 0 : i32
        %ne3A_259 = arith.cmpi ne, %rem3A_257, %ne3A_258 : i32
        %and3A_260 = arith.andi %ne3A_256, %ne3A_259 : i1
        %sub3A_261 = arith.constant 1 : i32
        %sub3A_262 = arith.subi %div3A_241, %sub3A_261 : i32
        %select_n3A_263 = arith.select %and3A_260, %sub3A_262, %div3A_241 : i32
        %get3A_264 = arith.index_cast %select_n3A_263 : i32 to index
        %get3A_265 = memref.load %arg1[%get3A_264] : memref<64xi32, #tpu.memory_space<smem>>
        %dma_start3A = arith.constant 2 : i32
        %dma_start3A_266 = arith.constant 2 : i32
        %dma_start3A_267 = tpu.memref_slice %arg9[%dma_start3A_266] : memref<4x!tpu.dma_semaphore, #tpu.memory_space<semaphore_mem>> -> memref<1x!tpu.dma_semaphore, #tpu.memory_space<semaphore_mem>>
        %dma_start3A_268 = tpu.memref_squeeze %dma_start3A_267 : memref<1x!tpu.dma_semaphore, #tpu.memory_space<semaphore_mem>> -> memref<!tpu.dma_semaphore, #tpu.memory_space<semaphore_mem>>
        %dma_start3A_269 = arith.constant 0 : i32
        %dma_start3A_270 = arith.constant 0 : i32
        %dma_start3A_271 = tpu.memref_slice %arg8[%dma_start3A, %dma_start3A_269, %dma_start3A_270] : memref<4x512x1024xf32, #tpu.memory_space<vmem>> -> memref<1x512x1024xf32, #tpu.memory_space<vmem>>
        %dma_start3A_272 = tpu.memref_squeeze %dma_start3A_271 : memref<1x512x1024xf32, #tpu.memory_space<vmem>> -> memref<512x1024xf32, #tpu.memory_space<vmem>>
        %dma_start3A_273 = arith.constant 0 : i32
        %dma_start3A_274 = arith.constant 0 : i32
        %dma_start3A_275 = tpu.memref_slice %arg6[%get3A_265, %dma_start3A_273, %dma_start3A_274] : memref<64x1024x1024xf32, #tpu.memory_space<any>> -> memref<1x512x1024xf32, #tpu.memory_space<any>>
        %dma_start3A_276 = tpu.memref_squeeze %dma_start3A_275 : memref<1x512x1024xf32, #tpu.memory_space<any>> -> memref<512x1024xf32, #tpu.memory_space<any>>
        tpu.enqueue_dma source(%dma_start3A_276 : memref<512x1024xf32, #tpu.memory_space<any>>) target(%dma_start3A_272 : memref<512x1024xf32, #tpu.memory_space<vmem>>) target_semaphore(%dma_start3A_268 : memref<!tpu.dma_semaphore, #tpu.memory_space<semaphore_mem>>)
      } else {
      }
      %add3A_209 = arith.constant 2 : i32
      %add3A_210 = arith.addi %mul3A_58, %add3A_209 : i32
      %add3A_211 = arith.constant 1 : i32
      %add3A_212 = arith.addi %add3A_210, %add3A_211 : i32
      %lt3A_213 = arith.cmpi slt, %add3A_212, %mul3A_1 : i32
      %convert_element_type3A_214 = arith.extui %lt3A_213 : i1 to i32
      %cond3A_215 = arith.constant 0 : i32
      %cond3A_216 = arith.cmpi ne, %convert_element_type3A_214, %cond3A_215 : i32
      scf.if %cond3A_216 {
        %jit3A_238 = arith.constant 2 : i32
        %div3A_239 = arith.divsi %add3A_212, %jit3A_238 : i32
        %sign3A_240 = arith.constant 0 : i32
        %sign3A_241 = arith.cmpi sgt, %add3A_212, %sign3A_240 : i32
        %sign3A_242 = arith.extui %sign3A_241 : i1 to i32
        %sign3A_243 = arith.constant 0 : i32
        %sign3A_244 = arith.cmpi slt, %add3A_212, %sign3A_243 : i32
        %sign3A_245 = arith.extui %sign3A_244 : i1 to i32
        %sign3A_246 = arith.subi %sign3A_242, %sign3A_245 : i32
        %sign3A_247 = arith.constant 0 : i32
        %sign3A_248 = arith.cmpi sgt, %jit3A_238, %sign3A_247 : i32
        %sign3A_249 = arith.extui %sign3A_248 : i1 to i32
        %sign3A_250 = arith.constant 0 : i32
        %sign3A_251 = arith.cmpi slt, %jit3A_238, %sign3A_250 : i32
        %sign3A_252 = arith.extui %sign3A_251 : i1 to i32
        %sign3A_253 = arith.subi %sign3A_249, %sign3A_252 : i32
        %ne3A_254 = arith.cmpi ne, %sign3A_246, %sign3A_253 : i32
        %rem3A_255 = arith.remsi %add3A_212, %jit3A_238 : i32
        %ne3A_256 = arith.constant 0 : i32
        %ne3A_257 = arith.cmpi ne, %rem3A_255, %ne3A_256 : i32
        %and3A_258 = arith.andi %ne3A_254, %ne3A_257 : i1
        %sub3A_259 = arith.constant 1 : i32
        %sub3A_260 = arith.subi %div3A_239, %sub3A_259 : i32
        %select_n3A_261 = arith.select %and3A_258, %sub3A_260, %div3A_239 : i32
        %get3A_262 = arith.index_cast %select_n3A_261 : i32 to index
        %get3A_263 = memref.load %arg1[%get3A_262] : memref<64xi32, #tpu.memory_space<smem>>
        %dma_wait3A = arith.constant 3 : i32
        %dma_wait3A_264 = arith.constant 3 : i32
        %dma_wait3A_265 = tpu.memref_slice %arg9[%dma_wait3A_264] : memref<4x!tpu.dma_semaphore, #tpu.memory_space<semaphore_mem>> -> memref<1x!tpu.dma_semaphore, #tpu.memory_space<semaphore_mem>>
        %dma_wait3A_266 = tpu.memref_squeeze %dma_wait3A_265 : memref<1x!tpu.dma_semaphore, #tpu.memory_space<semaphore_mem>> -> memref<!tpu.dma_semaphore, #tpu.memory_space<semaphore_mem>>
        %dma_wait3A_267 = arith.constant 0 : i32
        %dma_wait3A_268 = arith.constant 0 : i32
        %dma_wait3A_269 = tpu.memref_slice %arg8[%dma_wait3A, %dma_wait3A_267, %dma_wait3A_268] : memref<4x512x1024xf32, #tpu.memory_space<vmem>> -> memref<1x512x1024xf32, #tpu.memory_space<vmem>>
        %dma_wait3A_270 = tpu.memref_squeeze %dma_wait3A_269 : memref<1x512x1024xf32, #tpu.memory_space<vmem>> -> memref<512x1024xf32, #tpu.memory_space<vmem>>
        %dma_wait3A_271 = arith.constant 512 : i32
        %dma_wait3A_272 = arith.constant 0 : i32
        %dma_wait3A_273 = tpu.memref_slice %arg6[%get3A_263, %dma_wait3A_271, %dma_wait3A_272] : memref<64x1024x1024xf32, #tpu.memory_space<any>> -> memref<1x512x1024xf32, #tpu.memory_space<any>>
        %dma_wait3A_274 = tpu.memref_squeeze %dma_wait3A_273 : memref<1x512x1024xf32, #tpu.memory_space<any>> -> memref<512x1024xf32, #tpu.memory_space<any>>
        tpu.wait_dma2 semaphore(%dma_wait3A_266 : memref<!tpu.dma_semaphore, #tpu.memory_space<semaphore_mem>>) src(%dma_wait3A_274 : memref<512x1024xf32, #tpu.memory_space<any>>) dst(%dma_wait3A_270 : memref<512x1024xf32, #tpu.memory_space<vmem>>)
      } else {
      }
      %get3A_217 = arith.constant 0 : index
      %get3A_218 = arith.constant 512 : index
      %get3A_219 = vector.load %arg3[%get3A_217, %get3A_218] : memref<32x1024xf32, #tpu.memory_space<vmem>>, vector<32x512xf32>
      %get3A_220 = arith.constant 3 : index
      %get3A_221 = arith.constant 0 : index
      %get3A_222 = arith.constant 0 : index
      %get3A_223 = vector.load %arg8[%get3A_220, %get3A_221, %get3A_222] : memref<4x512x1024xf32, #tpu.memory_space<vmem>>, vector<1x512x1024xf32>
      %get3A_224 = vector.shape_cast %get3A_223 : vector<1x512x1024xf32> to vector<512x1024xf32>
      %dot_general3A_225 = arith.constant dense<0.000000e+00> : vector<32x1024xf32>
      %dot_general3A_226 = tpu.matmul %get3A_219, %get3A_224, %dot_general3A_225 {dimension_numbers = #tpu.dot_dimension_numbers<[1], [0], [0], [1], [0, 0, 1, 1], [], []>, transpose_lhs_hint = false} : vector<32x512xf32>, vector<512x1024xf32>, vector<32x1024xf32> -> vector<32x1024xf32>
      %add3A_227 = arith.addf %dot_general3A_202, %dot_general3A_226 : vector<32x1024xf32>
      %add3A_228 = arith.constant 4 : i32
      %add3A_229 = arith.addi %add3A_212, %add3A_228 : i32
      %lt3A_230 = arith.cmpi slt, %add3A_229, %mul3A_1 : i32
      %convert_element_type3A_231 = arith.extui %lt3A_230 : i1 to i32
      %cond3A_232 = arith.constant 0 : i32
      %cond3A_233 = arith.cmpi ne, %convert_element_type3A_231, %cond3A_232 : i32
      scf.if %cond3A_233 {
        %add3A_238 = arith.constant 4 : i32
        %add3A_239 = arith.addi %add3A_212, %add3A_238 : i32
        %jit3A_240 = arith.constant 2 : i32
        %div3A_241 = arith.divsi %add3A_239, %jit3A_240 : i32
        %sign3A_242 = arith.constant 0 : i32
        %sign3A_243 = arith.cmpi sgt, %add3A_239, %sign3A_242 : i32
        %sign3A_244 = arith.extui %sign3A_243 : i1 to i32
        %sign3A_245 = arith.constant 0 : i32
        %sign3A_246 = arith.cmpi slt, %add3A_239, %sign3A_245 : i32
        %sign3A_247 = arith.extui %sign3A_246 : i1 to i32
        %sign3A_248 = arith.subi %sign3A_244, %sign3A_247 : i32
        %sign3A_249 = arith.constant 0 : i32
        %sign3A_250 = arith.cmpi sgt, %jit3A_240, %sign3A_249 : i32
        %sign3A_251 = arith.extui %sign3A_250 : i1 to i32
        %sign3A_252 = arith.constant 0 : i32
        %sign3A_253 = arith.cmpi slt, %jit3A_240, %sign3A_252 : i32
        %sign3A_254 = arith.extui %sign3A_253 : i1 to i32
        %sign3A_255 = arith.subi %sign3A_251, %sign3A_254 : i32
        %ne3A_256 = arith.cmpi ne, %sign3A_248, %sign3A_255 : i32
        %rem3A_257 = arith.remsi %add3A_239, %jit3A_240 : i32
        %ne3A_258 = arith.constant 0 : i32
        %ne3A_259 = arith.cmpi ne, %rem3A_257, %ne3A_258 : i32
        %and3A_260 = arith.andi %ne3A_256, %ne3A_259 : i1
        %sub3A_261 = arith.constant 1 : i32
        %sub3A_262 = arith.subi %div3A_241, %sub3A_261 : i32
        %select_n3A_263 = arith.select %and3A_260, %sub3A_262, %div3A_241 : i32
        %get3A_264 = arith.index_cast %select_n3A_263 : i32 to index
        %get3A_265 = memref.load %arg1[%get3A_264] : memref<64xi32, #tpu.memory_space<smem>>
        %dma_start3A = arith.constant 3 : i32
        %dma_start3A_266 = arith.constant 3 : i32
        %dma_start3A_267 = tpu.memref_slice %arg9[%dma_start3A_266] : memref<4x!tpu.dma_semaphore, #tpu.memory_space<semaphore_mem>> -> memref<1x!tpu.dma_semaphore, #tpu.memory_space<semaphore_mem>>
        %dma_start3A_268 = tpu.memref_squeeze %dma_start3A_267 : memref<1x!tpu.dma_semaphore, #tpu.memory_space<semaphore_mem>> -> memref<!tpu.dma_semaphore, #tpu.memory_space<semaphore_mem>>
        %dma_start3A_269 = arith.constant 0 : i32
        %dma_start3A_270 = arith.constant 0 : i32
        %dma_start3A_271 = tpu.memref_slice %arg8[%dma_start3A, %dma_start3A_269, %dma_start3A_270] : memref<4x512x1024xf32, #tpu.memory_space<vmem>> -> memref<1x512x1024xf32, #tpu.memory_space<vmem>>
        %dma_start3A_272 = tpu.memref_squeeze %dma_start3A_271 : memref<1x512x1024xf32, #tpu.memory_space<vmem>> -> memref<512x1024xf32, #tpu.memory_space<vmem>>
        %dma_start3A_273 = arith.constant 512 : i32
        %dma_start3A_274 = arith.constant 0 : i32
        %dma_start3A_275 = tpu.memref_slice %arg6[%get3A_265, %dma_start3A_273, %dma_start3A_274] : memref<64x1024x1024xf32, #tpu.memory_space<any>> -> memref<1x512x1024xf32, #tpu.memory_space<any>>
        %dma_start3A_276 = tpu.memref_squeeze %dma_start3A_275 : memref<1x512x1024xf32, #tpu.memory_space<any>> -> memref<512x1024xf32, #tpu.memory_space<any>>
        tpu.enqueue_dma source(%dma_start3A_276 : memref<512x1024xf32, #tpu.memory_space<any>>) target(%dma_start3A_272 : memref<512x1024xf32, #tpu.memory_space<vmem>>) target_semaphore(%dma_start3A_268 : memref<!tpu.dma_semaphore, #tpu.memory_space<semaphore_mem>>)
      } else {
      }
      %lt3A_234 = arith.cmpi slt, %add3A_172, %get3A_0 : i32
      %convert_element_type3A_235 = arith.extui %lt3A_234 : i1 to i32
      %cond3A_236 = arith.constant 0 : i32
      %cond3A_237 = arith.cmpi ne, %convert_element_type3A_235, %cond3A_236 : i32
      scf.if %cond3A_237 {
        %get3A_238 = arith.constant 0 : index
        %get3A_239 = arith.constant 0 : index
        %get3A_240 = vector.load %arg7[%get3A_238, %get3A_239] : memref<32x1024xf32, #tpu.memory_space<vmem>>, vector<32x1024xf32>
        %mul3A_241 = vector.broadcast %dot_general3A_184 : vector<32x1xf32> to vector<32x1024xf32>
        %mul3A_242 = arith.mulf %add3A_227, %mul3A_241 : vector<32x1024xf32>
        %add3A_243 = arith.addf %get3A_240, %mul3A_242 : vector<32x1024xf32>
        %swap3A_244 = arith.constant 0 : index
        %swap3A_245 = arith.constant 0 : index
        %swap3A_246 = vector.load %arg7[%swap3A_244, %swap3A_245] : memref<32x1024xf32, #tpu.memory_space<vmem>>, vector<32x1024xf32>
        tpu.vector_store %arg7[%swap3A_244, %swap3A_245], %add3A_243 {strides = array<i32>} : memref<32x1024xf32, #tpu.memory_space<vmem>>, vector<32x1024xf32>,
      } else {
      }
    }
    %while3A_55 = arith.constant 1 : i32
    scf.for %while3A_56 = %while3A_53 to %while3A_49 step %while3A_55  : i32 {
      %mul3A_57 = arith.constant 4 : i32
      %mul3A_58 = arith.muli %while3A_56, %mul3A_57 : i32
      %jit3A_59 = arith.constant 2 : i32
      %div3A_60 = arith.divsi %mul3A_58, %jit3A_59 : i32
      %sign3A_61 = arith.constant 0 : i32
      %sign3A_62 = arith.cmpi sgt, %mul3A_58, %sign3A_61 : i32
      %sign3A_63 = arith.extui %sign3A_62 : i1 to i32
      %sign3A_64 = arith.constant 0 : i32
      %sign3A_65 = arith.cmpi slt, %mul3A_58, %sign3A_64 : i32
      %sign3A_66 = arith.extui %sign3A_65 : i1 to i32
      %sign3A_67 = arith.subi %sign3A_63, %sign3A_66 : i32
      %sign3A_68 = arith.constant 0 : i32
      %sign3A_69 = arith.cmpi sgt, %jit3A_59, %sign3A_68 : i32
      %sign3A_70 = arith.extui %sign3A_69 : i1 to i32
      %sign3A_71 = arith.constant 0 : i32
      %sign3A_72 = arith.cmpi slt, %jit3A_59, %sign3A_71 : i32
      %sign3A_73 = arith.extui %sign3A_72 : i1 to i32
      %sign3A_74 = arith.subi %sign3A_70, %sign3A_73 : i32
      %ne3A_75 = arith.cmpi ne, %sign3A_67, %sign3A_74 : i32
      %rem3A_76 = arith.remsi %mul3A_58, %jit3A_59 : i32
      %ne3A_77 = arith.constant 0 : i32
      %ne3A_78 = arith.cmpi ne, %rem3A_76, %ne3A_77 : i32
      %and3A_79 = arith.andi %ne3A_75, %ne3A_78 : i1
      %sub3A_80 = arith.constant 1 : i32
      %sub3A_81 = arith.subi %div3A_60, %sub3A_80 : i32
      %select_n3A_82 = arith.select %and3A_79, %sub3A_81, %div3A_60 : i32
      %add3A_83 = arith.constant 0 : i32
      %add3A_84 = arith.addi %select_n3A_82, %add3A_83 : i32
      %iota3A = tpu.iota {dimensions = array<i32: 0>} : vector<64x1xi32>
      %get3A_85 = arith.index_cast %add3A_84 : i32 to index
      %get3A_86 = memref.load %arg1[%get3A_85] : memref<64xi32, #tpu.memory_space<smem>>
      %eq3A = vector.broadcast %get3A_86 : i32 to vector<64x1xi32>
      %eq3A_87 = arith.cmpi eq, %iota3A, %eq3A : vector<64x1xi32>
      %convert_element_type3A_88 = arith.extui %eq3A_87 : vector<64x1xi1> to vector<64x1xi32>
      %convert_element_type3A_89 = arith.sitofp %convert_element_type3A_88 : vector<64x1xi32> to vector<64x1xf32>
      %get3A_90 = arith.constant 0 : index
      %get3A_91 = arith.constant 0 : index
      %get3A_92 = vector.load %arg4[%get3A_90, %get3A_91] : memref<32x64xf32, #tpu.memory_space<vmem>>, vector<32x64xf32>
      %dot_general3A_93 = arith.constant dense<0.000000e+00> : vector<32x1xf32>
      %dot_general3A_94 = tpu.matmul %get3A_92, %convert_element_type3A_89, %dot_general3A_93 {dimension_numbers = #tpu.dot_dimension_numbers<[1], [0], [0], [1], [0, 0, 1, 1], [], []>, transpose_lhs_hint = false} : vector<32x64xf32>, vector<64x1xf32>, vector<32x1xf32> -> vector<32x1xf32>
      %add3A_95 = arith.constant 0 : i32
      %add3A_96 = arith.addi %mul3A_58, %add3A_95 : i32
      %add3A_97 = arith.constant 0 : i32
      %add3A_98 = arith.addi %add3A_96, %add3A_97 : i32
      %lt3A = arith.cmpi slt, %add3A_98, %mul3A_1 : i32
      %convert_element_type3A_99 = arith.extui %lt3A : i1 to i32
      %cond3A_100 = arith.constant 0 : i32
      %cond3A_101 = arith.cmpi ne, %convert_element_type3A_99, %cond3A_100 : i32
      scf.if %cond3A_101 {
        %jit3A_238 = arith.constant 2 : i32
        %div3A_239 = arith.divsi %add3A_98, %jit3A_238 : i32
        %sign3A_240 = arith.constant 0 : i32
        %sign3A_241 = arith.cmpi sgt, %add3A_98, %sign3A_240 : i32
        %sign3A_242 = arith.extui %sign3A_241 : i1 to i32
        %sign3A_243 = arith.constant 0 : i32
        %sign3A_244 = arith.cmpi slt, %add3A_98, %sign3A_243 : i32
        %sign3A_245 = arith.extui %sign3A_244 : i1 to i32
        %sign3A_246 = arith.subi %sign3A_242, %sign3A_245 : i32
        %sign3A_247 = arith.constant 0 : i32
        %sign3A_248 = arith.cmpi sgt, %jit3A_238, %sign3A_247 : i32
        %sign3A_249 = arith.extui %sign3A_248 : i1 to i32
        %sign3A_250 = arith.constant 0 : i32
        %sign3A_251 = arith.cmpi slt, %jit3A_238, %sign3A_250 : i32
        %sign3A_252 = arith.extui %sign3A_251 : i1 to i32
        %sign3A_253 = arith.subi %sign3A_249, %sign3A_252 : i32
        %ne3A_254 = arith.cmpi ne, %sign3A_246, %sign3A_253 : i32
        %rem3A_255 = arith.remsi %add3A_98, %jit3A_238 : i32
        %ne3A_256 = arith.constant 0 : i32
        %ne3A_257 = arith.cmpi ne, %rem3A_255, %ne3A_256 : i32
        %and3A_258 = arith.andi %ne3A_254, %ne3A_257 : i1
        %sub3A_259 = arith.constant 1 : i32
        %sub3A_260 = arith.subi %div3A_239, %sub3A_259 : i32
        %select_n3A_261 = arith.select %and3A_258, %sub3A_260, %div3A_239 : i32
        %get3A_262 = arith.index_cast %select_n3A_261 : i32 to index
        %get3A_263 = memref.load %arg1[%get3A_262] : memref<64xi32, #tpu.memory_space<smem>>
        %dma_wait3A = arith.constant 0 : i32
        %dma_wait3A_264 = arith.constant 0 : i32
        %dma_wait3A_265 = tpu.memref_slice %arg9[%dma_wait3A_264] : memref<4x!tpu.dma_semaphore, #tpu.memory_space<semaphore_mem>> -> memref<1x!tpu.dma_semaphore, #tpu.memory_space<semaphore_mem>>
        %dma_wait3A_266 = tpu.memref_squeeze %dma_wait3A_265 : memref<1x!tpu.dma_semaphore, #tpu.memory_space<semaphore_mem>> -> memref<!tpu.dma_semaphore, #tpu.memory_space<semaphore_mem>>
        %dma_wait3A_267 = arith.constant 0 : i32
        %dma_wait3A_268 = arith.constant 0 : i32
        %dma_wait3A_269 = tpu.memref_slice %arg8[%dma_wait3A, %dma_wait3A_267, %dma_wait3A_268] : memref<4x512x1024xf32, #tpu.memory_space<vmem>> -> memref<1x512x1024xf32, #tpu.memory_space<vmem>>
        %dma_wait3A_270 = tpu.memref_squeeze %dma_wait3A_269 : memref<1x512x1024xf32, #tpu.memory_space<vmem>> -> memref<512x1024xf32, #tpu.memory_space<vmem>>
        %dma_wait3A_271 = arith.constant 0 : i32
        %dma_wait3A_272 = arith.constant 0 : i32
        %dma_wait3A_273 = tpu.memref_slice %arg6[%get3A_263, %dma_wait3A_271, %dma_wait3A_272] : memref<64x1024x1024xf32, #tpu.memory_space<any>> -> memref<1x512x1024xf32, #tpu.memory_space<any>>
        %dma_wait3A_274 = tpu.memref_squeeze %dma_wait3A_273 : memref<1x512x1024xf32, #tpu.memory_space<any>> -> memref<512x1024xf32, #tpu.memory_space<any>>
        tpu.wait_dma2 semaphore(%dma_wait3A_266 : memref<!tpu.dma_semaphore, #tpu.memory_space<semaphore_mem>>) src(%dma_wait3A_274 : memref<512x1024xf32, #tpu.memory_space<any>>) dst(%dma_wait3A_270 : memref<512x1024xf32, #tpu.memory_space<vmem>>)
      } else {
      }
      %get3A_102 = arith.constant 0 : index
      %get3A_103 = arith.constant 0 : index
      %get3A_104 = vector.load %arg3[%get3A_102, %get3A_103] : memref<32x1024xf32, #tpu.memory_space<vmem>>, vector<32x512xf32>
      %get3A_105 = arith.constant 0 : index
      %get3A_106 = arith.constant 0 : index
      %get3A_107 = arith.constant 0 : index
      %get3A_108 = vector.load %arg8[%get3A_105, %get3A_106, %get3A_107] : memref<4x512x1024xf32, #tpu.memory_space<vmem>>, vector<1x512x1024xf32>
      %get3A_109 = vector.shape_cast %get3A_108 : vector<1x512x1024xf32> to vector<512x1024xf32>
      %dot_general3A_110 = arith.constant dense<0.000000e+00> : vector<32x1024xf32>
      %dot_general3A_111 = tpu.matmul %get3A_104, %get3A_109, %dot_general3A_110 {dimension_numbers = #tpu.dot_dimension_numbers<[1], [0], [0], [1], [0, 0, 1, 1], [], []>, transpose_lhs_hint = false} : vector<32x512xf32>, vector<512x1024xf32>, vector<32x1024xf32> -> vector<32x1024xf32>
      %add3A_112 = arith.constant 4 : i32
      %add3A_113 = arith.addi %add3A_98, %add3A_112 : i32
      %lt3A_114 = arith.cmpi slt, %add3A_113, %mul3A_1 : i32
      %convert_element_type3A_115 = arith.extui %lt3A_114 : i1 to i32
      %cond3A_116 = arith.constant 0 : i32
      %cond3A_117 = arith.cmpi ne, %convert_element_type3A_115, %cond3A_116 : i32
      scf.if %cond3A_117 {
        %add3A_238 = arith.constant 4 : i32
        %add3A_239 = arith.addi %add3A_98, %add3A_238 : i32
        %jit3A_240 = arith.constant 2 : i32
        %div3A_241 = arith.divsi %add3A_239, %jit3A_240 : i32
        %sign3A_242 = arith.constant 0 : i32
        %sign3A_243 = arith.cmpi sgt, %add3A_239, %sign3A_242 : i32
        %sign3A_244 = arith.extui %sign3A_243 : i1 to i32
        %sign3A_245 = arith.constant 0 : i32
        %sign3A_246 = arith.cmpi slt, %add3A_239, %sign3A_245 : i32
        %sign3A_247 = arith.extui %sign3A_246 : i1 to i32
        %sign3A_248 = arith.subi %sign3A_244, %sign3A_247 : i32
        %sign3A_249 = arith.constant 0 : i32
        %sign3A_250 = arith.cmpi sgt, %jit3A_240, %sign3A_249 : i32
        %sign3A_251 = arith.extui %sign3A_250 : i1 to i32
        %sign3A_252 = arith.constant 0 : i32
        %sign3A_253 = arith.cmpi slt, %jit3A_240, %sign3A_252 : i32
        %sign3A_254 = arith.extui %sign3A_253 : i1 to i32
        %sign3A_255 = arith.subi %sign3A_251, %sign3A_254 : i32
        %ne3A_256 = arith.cmpi ne, %sign3A_248, %sign3A_255 : i32
        %rem3A_257 = arith.remsi %add3A_239, %jit3A_240 : i32
        %ne3A_258 = arith.constant 0 : i32
        %ne3A_259 = arith.cmpi ne, %rem3A_257, %ne3A_258 : i32
        %and3A_260 = arith.andi %ne3A_256, %ne3A_259 : i1
        %sub3A_261 = arith.constant 1 : i32
        %sub3A_262 = arith.subi %div3A_241, %sub3A_261 : i32
        %select_n3A_263 = arith.select %and3A_260, %sub3A_262, %div3A_241 : i32
        %get3A_264 = arith.index_cast %select_n3A_263 : i32 to index
        %get3A_265 = memref.load %arg1[%get3A_264] : memref<64xi32, #tpu.memory_space<smem>>
        %dma_start3A = arith.constant 0 : i32
        %dma_start3A_266 = arith.constant 0 : i32
        %dma_start3A_267 = tpu.memref_slice %arg9[%dma_start3A_266] : memref<4x!tpu.dma_semaphore, #tpu.memory_space<semaphore_mem>> -> memref<1x!tpu.dma_semaphore, #tpu.memory_space<semaphore_mem>>
        %dma_start3A_268 = tpu.memref_squeeze %dma_start3A_267 : memref<1x!tpu.dma_semaphore, #tpu.memory_space<semaphore_mem>> -> memref<!tpu.dma_semaphore, #tpu.memory_space<semaphore_mem>>
        %dma_start3A_269 = arith.constant 0 : i32
        %dma_start3A_270 = arith.constant 0 : i32
        %dma_start3A_271 = tpu.memref_slice %arg8[%dma_start3A, %dma_start3A_269, %dma_start3A_270] : memref<4x512x1024xf32, #tpu.memory_space<vmem>> -> memref<1x512x1024xf32, #tpu.memory_space<vmem>>
        %dma_start3A_272 = tpu.memref_squeeze %dma_start3A_271 : memref<1x512x1024xf32, #tpu.memory_space<vmem>> -> memref<512x1024xf32, #tpu.memory_space<vmem>>
        %dma_start3A_273 = arith.constant 0 : i32
        %dma_start3A_274 = arith.constant 0 : i32
        %dma_start3A_275 = tpu.memref_slice %arg6[%get3A_265, %dma_start3A_273, %dma_start3A_274] : memref<64x1024x1024xf32, #tpu.memory_space<any>> -> memref<1x512x1024xf32, #tpu.memory_space<any>>
        %dma_start3A_276 = tpu.memref_squeeze %dma_start3A_275 : memref<1x512x1024xf32, #tpu.memory_space<any>> -> memref<512x1024xf32, #tpu.memory_space<any>>
        tpu.enqueue_dma source(%dma_start3A_276 : memref<512x1024xf32, #tpu.memory_space<any>>) target(%dma_start3A_272 : memref<512x1024xf32, #tpu.memory_space<vmem>>) target_semaphore(%dma_start3A_268 : memref<!tpu.dma_semaphore, #tpu.memory_space<semaphore_mem>>)
      } else {
      }
      %add3A_118 = arith.constant 0 : i32
      %add3A_119 = arith.addi %mul3A_58, %add3A_118 : i32
      %add3A_120 = arith.constant 1 : i32
      %add3A_121 = arith.addi %add3A_119, %add3A_120 : i32
      %lt3A_122 = arith.cmpi slt, %add3A_121, %mul3A_1 : i32
      %convert_element_type3A_123 = arith.extui %lt3A_122 : i1 to i32
      %cond3A_124 = arith.constant 0 : i32
      %cond3A_125 = arith.cmpi ne, %convert_element_type3A_123, %cond3A_124 : i32
      scf.if %cond3A_125 {
        %jit3A_238 = arith.constant 2 : i32
        %div3A_239 = arith.divsi %add3A_121, %jit3A_238 : i32
        %sign3A_240 = arith.constant 0 : i32
        %sign3A_241 = arith.cmpi sgt, %add3A_121, %sign3A_240 : i32
        %sign3A_242 = arith.extui %sign3A_241 : i1 to i32
        %sign3A_243 = arith.constant 0 : i32
        %sign3A_244 = arith.cmpi slt, %add3A_121, %sign3A_243 : i32
        %sign3A_245 = arith.extui %sign3A_244 : i1 to i32
        %sign3A_246 = arith.subi %sign3A_242, %sign3A_245 : i32
        %sign3A_247 = arith.constant 0 : i32
        %sign3A_248 = arith.cmpi sgt, %jit3A_238, %sign3A_247 : i32
        %sign3A_249 = arith.extui %sign3A_248 : i1 to i32
        %sign3A_250 = arith.constant 0 : i32
        %sign3A_251 = arith.cmpi slt, %jit3A_238, %sign3A_250 : i32
        %sign3A_252 = arith.extui %sign3A_251 : i1 to i32
        %sign3A_253 = arith.subi %sign3A_249, %sign3A_252 : i32
        %ne3A_254 = arith.cmpi ne, %sign3A_246, %sign3A_253 : i32
        %rem3A_255 = arith.remsi %add3A_121, %jit3A_238 : i32
        %ne3A_256 = arith.constant 0 : i32
        %ne3A_257 = arith.cmpi ne, %rem3A_255, %ne3A_256 : i32
        %and3A_258 = arith.andi %ne3A_254, %ne3A_257 : i1
        %sub3A_259 = arith.constant 1 : i32
        %sub3A_260 = arith.subi %div3A_239, %sub3A_259 : i32
        %select_n3A_261 = arith.select %and3A_258, %sub3A_260, %div3A_239 : i32
        %get3A_262 = arith.index_cast %select_n3A_261 : i32 to index
        %get3A_263 = memref.load %arg1[%get3A_262] : memref<64xi32, #tpu.memory_space<smem>>
        %dma_wait3A = arith.constant 1 : i32
        %dma_wait3A_264 = arith.constant 1 : i32
        %dma_wait3A_265 = tpu.memref_slice %arg9[%dma_wait3A_264] : memref<4x!tpu.dma_semaphore, #tpu.memory_space<semaphore_mem>> -> memref<1x!tpu.dma_semaphore, #tpu.memory_space<semaphore_mem>>
        %dma_wait3A_266 = tpu.memref_squeeze %dma_wait3A_265 : memref<1x!tpu.dma_semaphore, #tpu.memory_space<semaphore_mem>> -> memref<!tpu.dma_semaphore, #tpu.memory_space<semaphore_mem>>
        %dma_wait3A_267 = arith.constant 0 : i32
        %dma_wait3A_268 = arith.constant 0 : i32
        %dma_wait3A_269 = tpu.memref_slice %arg8[%dma_wait3A, %dma_wait3A_267, %dma_wait3A_268] : memref<4x512x1024xf32, #tpu.memory_space<vmem>> -> memref<1x512x1024xf32, #tpu.memory_space<vmem>>
        %dma_wait3A_270 = tpu.memref_squeeze %dma_wait3A_269 : memref<1x512x1024xf32, #tpu.memory_space<vmem>> -> memref<512x1024xf32, #tpu.memory_space<vmem>>
        %dma_wait3A_271 = arith.constant 512 : i32
        %dma_wait3A_272 = arith.constant 0 : i32
        %dma_wait3A_273 = tpu.memref_slice %arg6[%get3A_263, %dma_wait3A_271, %dma_wait3A_272] : memref<64x1024x1024xf32, #tpu.memory_space<any>> -> memref<1x512x1024xf32, #tpu.memory_space<any>>
        %dma_wait3A_274 = tpu.memref_squeeze %dma_wait3A_273 : memref<1x512x1024xf32, #tpu.memory_space<any>> -> memref<512x1024xf32, #tpu.memory_space<any>>
        tpu.wait_dma2 semaphore(%dma_wait3A_266 : memref<!tpu.dma_semaphore, #tpu.memory_space<semaphore_mem>>) src(%dma_wait3A_274 : memref<512x1024xf32, #tpu.memory_space<any>>) dst(%dma_wait3A_270 : memref<512x1024xf32, #tpu.memory_space<vmem>>)
      } else {
      }
      %get3A_126 = arith.constant 0 : index
      %get3A_127 = arith.constant 512 : index
      %get3A_128 = vector.load %arg3[%get3A_126, %get3A_127] : memref<32x1024xf32, #tpu.memory_space<vmem>>, vector<32x512xf32>
      %get3A_129 = arith.constant 1 : index
      %get3A_130 = arith.constant 0 : index
      %get3A_131 = arith.constant 0 : index
      %get3A_132 = vector.load %arg8[%get3A_129, %get3A_130, %get3A_131] : memref<4x512x1024xf32, #tpu.memory_space<vmem>>, vector<1x512x1024xf32>
      %get3A_133 = vector.shape_cast %get3A_132 : vector<1x512x1024xf32> to vector<512x1024xf32>
      %dot_general3A_134 = arith.constant dense<0.000000e+00> : vector<32x1024xf32>
      %dot_general3A_135 = tpu.matmul %get3A_128, %get3A_133, %dot_general3A_134 {dimension_numbers = #tpu.dot_dimension_numbers<[1], [0], [0], [1], [0, 0, 1, 1], [], []>, transpose_lhs_hint = false} : vector<32x512xf32>, vector<512x1024xf32>, vector<32x1024xf32> -> vector<32x1024xf32>
      %add3A_136 = arith.addf %dot_general3A_111, %dot_general3A_135 : vector<32x1024xf32>
      %add3A_137 = arith.constant 4 : i32
      %add3A_138 = arith.addi %add3A_121, %add3A_137 : i32
      %lt3A_139 = arith.cmpi slt, %add3A_138, %mul3A_1 : i32
      %convert_element_type3A_140 = arith.extui %lt3A_139 : i1 to i32
      %cond3A_141 = arith.constant 0 : i32
      %cond3A_142 = arith.cmpi ne, %convert_element_type3A_140, %cond3A_141 : i32
      scf.if %cond3A_142 {
        %add3A_238 = arith.constant 4 : i32
        %add3A_239 = arith.addi %add3A_121, %add3A_238 : i32
        %jit3A_240 = arith.constant 2 : i32
        %div3A_241 = arith.divsi %add3A_239, %jit3A_240 : i32
        %sign3A_242 = arith.constant 0 : i32
        %sign3A_243 = arith.cmpi sgt, %add3A_239, %sign3A_242 : i32
        %sign3A_244 = arith.extui %sign3A_243 : i1 to i32
        %sign3A_245 = arith.constant 0 : i32
        %sign3A_246 = arith.cmpi slt, %add3A_239, %sign3A_245 : i32
        %sign3A_247 = arith.extui %sign3A_246 : i1 to i32
        %sign3A_248 = arith.subi %sign3A_244, %sign3A_247 : i32
        %sign3A_249 = arith.constant 0 : i32
        %sign3A_250 = arith.cmpi sgt, %jit3A_240, %sign3A_249 : i32
        %sign3A_251 = arith.extui %sign3A_250 : i1 to i32
        %sign3A_252 = arith.constant 0 : i32
        %sign3A_253 = arith.cmpi slt, %jit3A_240, %sign3A_252 : i32
        %sign3A_254 = arith.extui %sign3A_253 : i1 to i32
        %sign3A_255 = arith.subi %sign3A_251, %sign3A_254 : i32
        %ne3A_256 = arith.cmpi ne, %sign3A_248, %sign3A_255 : i32
        %rem3A_257 = arith.remsi %add3A_239, %jit3A_240 : i32
        %ne3A_258 = arith.constant 0 : i32
        %ne3A_259 = arith.cmpi ne, %rem3A_257, %ne3A_258 : i32
        %and3A_260 = arith.andi %ne3A_256, %ne3A_259 : i1
        %sub3A_261 = arith.constant 1 : i32
        %sub3A_262 = arith.subi %div3A_241, %sub3A_261 : i32
        %select_n3A_263 = arith.select %and3A_260, %sub3A_262, %div3A_241 : i32
        %get3A_264 = arith.index_cast %select_n3A_263 : i32 to index
        %get3A_265 = memref.load %arg1[%get3A_264] : memref<64xi32, #tpu.memory_space<smem>>
        %dma_start3A = arith.constant 1 : i32
        %dma_start3A_266 = arith.constant 1 : i32
        %dma_start3A_267 = tpu.memref_slice %arg9[%dma_start3A_266] : memref<4x!tpu.dma_semaphore, #tpu.memory_space<semaphore_mem>> -> memref<1x!tpu.dma_semaphore, #tpu.memory_space<semaphore_mem>>
        %dma_start3A_268 = tpu.memref_squeeze %dma_start3A_267 : memref<1x!tpu.dma_semaphore, #tpu.memory_space<semaphore_mem>> -> memref<!tpu.dma_semaphore, #tpu.memory_space<semaphore_mem>>
        %dma_start3A_269 = arith.constant 0 : i32
        %dma_start3A_270 = arith.constant 0 : i32
        %dma_start3A_271 = tpu.memref_slice %arg8[%dma_start3A, %dma_start3A_269, %dma_start3A_270] : memref<4x512x1024xf32, #tpu.memory_space<vmem>> -> memref<1x512x1024xf32, #tpu.memory_space<vmem>>
        %dma_start3A_272 = tpu.memref_squeeze %dma_start3A_271 : memref<1x512x1024xf32, #tpu.memory_space<vmem>> -> memref<512x1024xf32, #tpu.memory_space<vmem>>
        %dma_start3A_273 = arith.constant 512 : i32
        %dma_start3A_274 = arith.constant 0 : i32
        %dma_start3A_275 = tpu.memref_slice %arg6[%get3A_265, %dma_start3A_273, %dma_start3A_274] : memref<64x1024x1024xf32, #tpu.memory_space<any>> -> memref<1x512x1024xf32, #tpu.memory_space<any>>
        %dma_start3A_276 = tpu.memref_squeeze %dma_start3A_275 : memref<1x512x1024xf32, #tpu.memory_space<any>> -> memref<512x1024xf32, #tpu.memory_space<any>>
        tpu.enqueue_dma source(%dma_start3A_276 : memref<512x1024xf32, #tpu.memory_space<any>>) target(%dma_start3A_272 : memref<512x1024xf32, #tpu.memory_space<vmem>>) target_semaphore(%dma_start3A_268 : memref<!tpu.dma_semaphore, #tpu.memory_space<semaphore_mem>>)
      } else {
      }
      %lt3A_143 = arith.cmpi slt, %add3A_84, %get3A_0 : i32
      %convert_element_type3A_144 = arith.extui %lt3A_143 : i1 to i32
      %cond3A_145 = arith.constant 0 : i32
      %cond3A_146 = arith.cmpi ne, %convert_element_type3A_144, %cond3A_145 : i32
      scf.if %cond3A_146 {
        %get3A_238 = arith.constant 0 : index
        %get3A_239 = arith.constant 0 : index
        %get3A_240 = vector.load %arg7[%get3A_238, %get3A_239] : memref<32x1024xf32, #tpu.memory_space<vmem>>, vector<32x1024xf32>
        %mul3A_241 = vector.broadcast %dot_general3A_94 : vector<32x1xf32> to vector<32x1024xf32>
        %mul3A_242 = arith.mulf %add3A_136, %mul3A_241 : vector<32x1024xf32>
        %add3A_243 = arith.addf %get3A_240, %mul3A_242 : vector<32x1024xf32>
        %swap3A_244 = arith.constant 0 : index
        %swap3A_245 = arith.constant 0 : index
        %swap3A_246 = vector.load %arg7[%swap3A_244, %swap3A_245] : memref<32x1024xf32, #tpu.memory_space<vmem>>, vector<32x1024xf32>
        tpu.vector_store %arg7[%swap3A_244, %swap3A_245], %add3A_243 {strides = array<i32>} : memref<32x1024xf32, #tpu.memory_space<vmem>>, vector<32x1024xf32>,
      } else {
      }
      %jit3A_147 = arith.constant 2 : i32
      %div3A_148 = arith.divsi %mul3A_58, %jit3A_147 : i32
      %sign3A_149 = arith.constant 0 : i32
      %sign3A_150 = arith.cmpi sgt, %mul3A_58, %sign3A_149 : i32
      %sign3A_151 = arith.extui %sign3A_150 : i1 to i32
      %sign3A_152 = arith.constant 0 : i32
      %sign3A_153 = arith.cmpi slt, %mul3A_58, %sign3A_152 : i32
      %sign3A_154 = arith.extui %sign3A_153 : i1 to i32
      %sign3A_155 = arith.subi %sign3A_151, %sign3A_154 : i32
      %sign3A_156 = arith.constant 0 : i32
      %sign3A_157 = arith.cmpi sgt, %jit3A_147, %sign3A_156 : i32
      %sign3A_158 = arith.extui %sign3A_157 : i1 to i32
      %sign3A_159 = arith.constant 0 : i32
      %sign3A_160 = arith.cmpi slt, %jit3A_147, %sign3A_159 : i32
      %sign3A_161 = arith.extui %sign3A_160 : i1 to i32
      %sign3A_162 = arith.subi %sign3A_158, %sign3A_161 : i32
      %ne3A_163 = arith.cmpi ne, %sign3A_155, %sign3A_162 : i32
      %rem3A_164 = arith.remsi %mul3A_58, %jit3A_147 : i32
      %ne3A_165 = arith.constant 0 : i32
      %ne3A_166 = arith.cmpi ne, %rem3A_164, %ne3A_165 : i32
      %and3A_167 = arith.andi %ne3A_163, %ne3A_166 : i1
      %sub3A_168 = arith.constant 1 : i32
      %sub3A_169 = arith.subi %div3A_148, %sub3A_168 : i32
      %select_n3A_170 = arith.select %and3A_167, %sub3A_169, %div3A_148 : i32
      %add3A_171 = arith.constant 1 : i32
      %add3A_172 = arith.addi %select_n3A_170, %add3A_171 : i32
      %iota3A_173 = tpu.iota {dimensions = array<i32: 0>} : vector<64x1xi32>
      %get3A_174 = arith.index_cast %add3A_172 : i32 to index
      %get3A_175 = memref.load %arg1[%get3A_174] : memref<64xi32, #tpu.memory_space<smem>>
      %eq3A_176 = vector.broadcast %get3A_175 : i32 to vector<64x1xi32>
      %eq3A_177 = arith.cmpi eq, %iota3A_173, %eq3A_176 : vector<64x1xi32>
      %convert_element_type3A_178 = arith.extui %eq3A_177 : vector<64x1xi1> to vector<64x1xi32>
      %convert_element_type3A_179 = arith.sitofp %convert_element_type3A_178 : vector<64x1xi32> to vector<64x1xf32>
      %get3A_180 = arith.constant 0 : index
      %get3A_181 = arith.constant 0 : index
      %get3A_182 = vector.load %arg4[%get3A_180, %get3A_181] : memref<32x64xf32, #tpu.memory_space<vmem>>, vector<32x64xf32>
      %dot_general3A_183 = arith.constant dense<0.000000e+00> : vector<32x1xf32>
      %dot_general3A_184 = tpu.matmul %get3A_182, %convert_element_type3A_179, %dot_general3A_183 {dimension_numbers = #tpu.dot_dimension_numbers<[1], [0], [0], [1], [0, 0, 1, 1], [], []>, transpose_lhs_hint = false} : vector<32x64xf32>, vector<64x1xf32>, vector<32x1xf32> -> vector<32x1xf32>
      %add3A_185 = arith.constant 2 : i32
      %add3A_186 = arith.addi %mul3A_58, %add3A_185 : i32
      %add3A_187 = arith.constant 0 : i32
      %add3A_188 = arith.addi %add3A_186, %add3A_187 : i32
      %lt3A_189 = arith.cmpi slt, %add3A_188, %mul3A_1 : i32
      %convert_element_type3A_190 = arith.extui %lt3A_189 : i1 to i32
      %cond3A_191 = arith.constant 0 : i32
      %cond3A_192 = arith.cmpi ne, %convert_element_type3A_190, %cond3A_191 : i32
      scf.if %cond3A_192 {
        %jit3A_238 = arith.constant 2 : i32
        %div3A_239 = arith.divsi %add3A_188, %jit3A_238 : i32
        %sign3A_240 = arith.constant 0 : i32
        %sign3A_241 = arith.cmpi sgt, %add3A_188, %sign3A_240 : i32
        %sign3A_242 = arith.extui %sign3A_241 : i1 to i32
        %sign3A_243 = arith.constant 0 : i32
        %sign3A_244 = arith.cmpi slt, %add3A_188, %sign3A_243 : i32
        %sign3A_245 = arith.extui %sign3A_244 : i1 to i32
        %sign3A_246 = arith.subi %sign3A_242, %sign3A_245 : i32
        %sign3A_247 = arith.constant 0 : i32
        %sign3A_248 = arith.cmpi sgt, %jit3A_238, %sign3A_247 : i32
        %sign3A_249 = arith.extui %sign3A_248 : i1 to i32
        %sign3A_250 = arith.constant 0 : i32
        %sign3A_251 = arith.cmpi slt, %jit3A_238, %sign3A_250 : i32
        %sign3A_252 = arith.extui %sign3A_251 : i1 to i32
        %sign3A_253 = arith.subi %sign3A_249, %sign3A_252 : i32
        %ne3A_254 = arith.cmpi ne, %sign3A_246, %sign3A_253 : i32
        %rem3A_255 = arith.remsi %add3A_188, %jit3A_238 : i32
        %ne3A_256 = arith.constant 0 : i32
        %ne3A_257 = arith.cmpi ne, %rem3A_255, %ne3A_256 : i32
        %and3A_258 = arith.andi %ne3A_254, %ne3A_257 : i1
        %sub3A_259 = arith.constant 1 : i32
        %sub3A_260 = arith.subi %div3A_239, %sub3A_259 : i32
        %select_n3A_261 = arith.select %and3A_258, %sub3A_260, %div3A_239 : i32
        %get3A_262 = arith.index_cast %select_n3A_261 : i32 to index
        %get3A_263 = memref.load %arg1[%get3A_262] : memref<64xi32, #tpu.memory_space<smem>>
        %dma_wait3A = arith.constant 2 : i32
        %dma_wait3A_264 = arith.constant 2 : i32
        %dma_wait3A_265 = tpu.memref_slice %arg9[%dma_wait3A_264] : memref<4x!tpu.dma_semaphore, #tpu.memory_space<semaphore_mem>> -> memref<1x!tpu.dma_semaphore, #tpu.memory_space<semaphore_mem>>
        %dma_wait3A_266 = tpu.memref_squeeze %dma_wait3A_265 : memref<1x!tpu.dma_semaphore, #tpu.memory_space<semaphore_mem>> -> memref<!tpu.dma_semaphore, #tpu.memory_space<semaphore_mem>>
        %dma_wait3A_267 = arith.constant 0 : i32
        %dma_wait3A_268 = arith.constant 0 : i32
        %dma_wait3A_269 = tpu.memref_slice %arg8[%dma_wait3A, %dma_wait3A_267, %dma_wait3A_268] : memref<4x512x1024xf32, #tpu.memory_space<vmem>> -> memref<1x512x1024xf32, #tpu.memory_space<vmem>>
        %dma_wait3A_270 = tpu.memref_squeeze %dma_wait3A_269 : memref<1x512x1024xf32, #tpu.memory_space<vmem>> -> memref<512x1024xf32, #tpu.memory_space<vmem>>
        %dma_wait3A_271 = arith.constant 0 : i32
        %dma_wait3A_272 = arith.constant 0 : i32
        %dma_wait3A_273 = tpu.memref_slice %arg6[%get3A_263, %dma_wait3A_271, %dma_wait3A_272] : memref<64x1024x1024xf32, #tpu.memory_space<any>> -> memref<1x512x1024xf32, #tpu.memory_space<any>>
        %dma_wait3A_274 = tpu.memref_squeeze %dma_wait3A_273 : memref<1x512x1024xf32, #tpu.memory_space<any>> -> memref<512x1024xf32, #tpu.memory_space<any>>
        tpu.wait_dma2 semaphore(%dma_wait3A_266 : memref<!tpu.dma_semaphore, #tpu.memory_space<semaphore_mem>>) src(%dma_wait3A_274 : memref<512x1024xf32, #tpu.memory_space<any>>) dst(%dma_wait3A_270 : memref<512x1024xf32, #tpu.memory_space<vmem>>)
      } else {
      }
      %get3A_193 = arith.constant 0 : index
      %get3A_194 = arith.constant 0 : index
      %get3A_195 = vector.load %arg3[%get3A_193, %get3A_194] : memref<32x1024xf32, #tpu.memory_space<vmem>>, vector<32x512xf32>
      %get3A_196 = arith.constant 2 : index
      %get3A_197 = arith.constant 0 : index
      %get3A_198 = arith.constant 0 : index
      %get3A_199 = vector.load %arg8[%get3A_196, %get3A_197, %get3A_198] : memref<4x512x1024xf32, #tpu.memory_space<vmem>>, vector<1x512x1024xf32>
      %get3A_200 = vector.shape_cast %get3A_199 : vector<1x512x1024xf32> to vector<512x1024xf32>
      %dot_general3A_201 = arith.constant dense<0.000000e+00> : vector<32x1024xf32>
      %dot_general3A_202 = tpu.matmul %get3A_195, %get3A_200, %dot_general3A_201 {dimension_numbers = #tpu.dot_dimension_numbers<[1], [0], [0], [1], [0, 0, 1, 1], [], []>, transpose_lhs_hint = false} : vector<32x512xf32>, vector<512x1024xf32>, vector<32x1024xf32> -> vector<32x1024xf32>
      %add3A_203 = arith.constant 4 : i32
      %add3A_204 = arith.addi %add3A_188, %add3A_203 : i32
      %lt3A_205 = arith.cmpi slt, %add3A_204, %mul3A_1 : i32
      %convert_element_type3A_206 = arith.extui %lt3A_205 : i1 to i32
      %cond3A_207 = arith.constant 0 : i32
      %cond3A_208 = arith.cmpi ne, %convert_element_type3A_206, %cond3A_207 : i32
      scf.if %cond3A_208 {
        %add3A_238 = arith.constant 4 : i32
        %add3A_239 = arith.addi %add3A_188, %add3A_238 : i32
        %jit3A_240 = arith.constant 2 : i32
        %div3A_241 = arith.divsi %add3A_239, %jit3A_240 : i32
        %sign3A_242 = arith.constant 0 : i32
        %sign3A_243 = arith.cmpi sgt, %add3A_239, %sign3A_242 : i32
        %sign3A_244 = arith.extui %sign3A_243 : i1 to i32
        %sign3A_245 = arith.constant 0 : i32
        %sign3A_246 = arith.cmpi slt, %add3A_239, %sign3A_245 : i32
        %sign3A_247 = arith.extui %sign3A_246 : i1 to i32
        %sign3A_248 = arith.subi %sign3A_244, %sign3A_247 : i32
        %sign3A_249 = arith.constant 0 : i32
        %sign3A_250 = arith.cmpi sgt, %jit3A_240, %sign3A_249 : i32
        %sign3A_251 = arith.extui %sign3A_250 : i1 to i32
        %sign3A_252 = arith.constant 0 : i32
        %sign3A_253 = arith.cmpi slt, %jit3A_240, %sign3A_252 : i32
        %sign3A_254 = arith.extui %sign3A_253 : i1 to i32
        %sign3A_255 = arith.subi %sign3A_251, %sign3A_254 : i32
        %ne3A_256 = arith.cmpi ne, %sign3A_248, %sign3A_255 : i32
        %rem3A_257 = arith.remsi %add3A_239, %jit3A_240 : i32
        %ne3A_258 = arith.constant 0 : i32
        %ne3A_259 = arith.cmpi ne, %rem3A_257, %ne3A_258 : i32
        %and3A_260 = arith.andi %ne3A_256, %ne3A_259 : i1
        %sub3A_261 = arith.constant 1 : i32
        %sub3A_262 = arith.subi %div3A_241, %sub3A_261 : i32
        %select_n3A_263 = arith.select %and3A_260, %sub3A_262, %div3A_241 : i32
        %get3A_264 = arith.index_cast %select_n3A_263 : i32 to index
        %get3A_265 = memref.load %arg1[%get3A_264] : memref<64xi32, #tpu.memory_space<smem>>
        %dma_start3A = arith.constant 2 : i32
        %dma_start3A_266 = arith.constant 2 : i32
        %dma_start3A_267 = tpu.memref_slice %arg9[%dma_start3A_266] : memref<4x!tpu.dma_semaphore, #tpu.memory_space<semaphore_mem>> -> memref<1x!tpu.dma_semaphore, #tpu.memory_space<semaphore_mem>>
        %dma_start3A_268 = tpu.memref_squeeze %dma_start3A_267 : memref<1x!tpu.dma_semaphore, #tpu.memory_space<semaphore_mem>> -> memref<!tpu.dma_semaphore, #tpu.memory_space<semaphore_mem>>
        %dma_start3A_269 = arith.constant 0 : i32
        %dma_start3A_270 = arith.constant 0 : i32
        %dma_start3A_271 = tpu.memref_slice %arg8[%dma_start3A, %dma_start3A_269, %dma_start3A_270] : memref<4x512x1024xf32, #tpu.memory_space<vmem>> -> memref<1x512x1024xf32, #tpu.memory_space<vmem>>
        %dma_start3A_272 = tpu.memref_squeeze %dma_start3A_271 : memref<1x512x1024xf32, #tpu.memory_space<vmem>> -> memref<512x1024xf32, #tpu.memory_space<vmem>>
        %dma_start3A_273 = arith.constant 0 : i32
        %dma_start3A_274 = arith.constant 0 : i32
        %dma_start3A_275 = tpu.memref_slice %arg6[%get3A_265, %dma_start3A_273, %dma_start3A_274] : memref<64x1024x1024xf32, #tpu.memory_space<any>> -> memref<1x512x1024xf32, #tpu.memory_space<any>>
        %dma_start3A_276 = tpu.memref_squeeze %dma_start3A_275 : memref<1x512x1024xf32, #tpu.memory_space<any>> -> memref<512x1024xf32, #tpu.memory_space<any>>
        tpu.enqueue_dma source(%dma_start3A_276 : memref<512x1024xf32, #tpu.memory_space<any>>) target(%dma_start3A_272 : memref<512x1024xf32, #tpu.memory_space<vmem>>) target_semaphore(%dma_start3A_268 : memref<!tpu.dma_semaphore, #tpu.memory_space<semaphore_mem>>)
      } else {
      }
      %add3A_209 = arith.constant 2 : i32
      %add3A_210 = arith.addi %mul3A_58, %add3A_209 : i32
      %add3A_211 = arith.constant 1 : i32
      %add3A_212 = arith.addi %add3A_210, %add3A_211 : i32
      %lt3A_213 = arith.cmpi slt, %add3A_212, %mul3A_1 : i32
      %convert_element_type3A_214 = arith.extui %lt3A_213 : i1 to i32
      %cond3A_215 = arith.constant 0 : i32
      %cond3A_216 = arith.cmpi ne, %convert_element_type3A_214, %cond3A_215 : i32
      scf.if %cond3A_216 {
        %jit3A_238 = arith.constant 2 : i32
        %div3A_239 = arith.divsi %add3A_212, %jit3A_238 : i32
        %sign3A_240 = arith.constant 0 : i32
        %sign3A_241 = arith.cmpi sgt, %add3A_212, %sign3A_240 : i32
        %sign3A_242 = arith.extui %sign3A_241 : i1 to i32
        %sign3A_243 = arith.constant 0 : i32
        %sign3A_244 = arith.cmpi slt, %add3A_212, %sign3A_243 : i32
        %sign3A_245 = arith.extui %sign3A_244 : i1 to i32
        %sign3A_246 = arith.subi %sign3A_242, %sign3A_245 : i32
        %sign3A_247 = arith.constant 0 : i32
        %sign3A_248 = arith.cmpi sgt, %jit3A_238, %sign3A_247 : i32
        %sign3A_249 = arith.extui %sign3A_248 : i1 to i32
        %sign3A_250 = arith.constant 0 : i32
        %sign3A_251 = arith.cmpi slt, %jit3A_238, %sign3A_250 : i32
        %sign3A_252 = arith.extui %sign3A_251 : i1 to i32
        %sign3A_253 = arith.subi %sign3A_249, %sign3A_252 : i32
        %ne3A_254 = arith.cmpi ne, %sign3A_246, %sign3A_253 : i32
        %rem3A_255 = arith.remsi %add3A_212, %jit3A_238 : i32
        %ne3A_256 = arith.constant 0 : i32
        %ne3A_257 = arith.cmpi ne, %rem3A_255, %ne3A_256 : i32
        %and3A_258 = arith.andi %ne3A_254, %ne3A_257 : i1
        %sub3A_259 = arith.constant 1 : i32
        %sub3A_260 = arith.subi %div3A_239, %sub3A_259 : i32
        %select_n3A_261 = arith.select %and3A_258, %sub3A_260, %div3A_239 : i32
        %get3A_262 = arith.index_cast %select_n3A_261 : i32 to index
        %get3A_263 = memref.load %arg1[%get3A_262] : memref<64xi32, #tpu.memory_space<smem>>
        %dma_wait3A = arith.constant 3 : i32
        %dma_wait3A_264 = arith.constant 3 : i32
        %dma_wait3A_265 = tpu.memref_slice %arg9[%dma_wait3A_264] : memref<4x!tpu.dma_semaphore, #tpu.memory_space<semaphore_mem>> -> memref<1x!tpu.dma_semaphore, #tpu.memory_space<semaphore_mem>>
        %dma_wait3A_266 = tpu.memref_squeeze %dma_wait3A_265 : memref<1x!tpu.dma_semaphore, #tpu.memory_space<semaphore_mem>> -> memref<!tpu.dma_semaphore, #tpu.memory_space<semaphore_mem>>
        %dma_wait3A_267 = arith.constant 0 : i32
        %dma_wait3A_268 = arith.constant 0 : i32
        %dma_wait3A_269 = tpu.memref_slice %arg8[%dma_wait3A, %dma_wait3A_267, %dma_wait3A_268] : memref<4x512x1024xf32, #tpu.memory_space<vmem>> -> memref<1x512x1024xf32, #tpu.memory_space<vmem>>
        %dma_wait3A_270 = tpu.memref_squeeze %dma_wait3A_269 : memref<1x512x1024xf32, #tpu.memory_space<vmem>> -> memref<512x1024xf32, #tpu.memory_space<vmem>>
        %dma_wait3A_271 = arith.constant 512 : i32
        %dma_wait3A_272 = arith.constant 0 : i32
        %dma_wait3A_273 = tpu.memref_slice %arg6[%get3A_263, %dma_wait3A_271, %dma_wait3A_272] : memref<64x1024x1024xf32, #tpu.memory_space<any>> -> memref<1x512x1024xf32, #tpu.memory_space<any>>
        %dma_wait3A_274 = tpu.memref_squeeze %dma_wait3A_273 : memref<1x512x1024xf32, #tpu.memory_space<any>> -> memref<512x1024xf32, #tpu.memory_space<any>>
        tpu.wait_dma2 semaphore(%dma_wait3A_266 : memref<!tpu.dma_semaphore, #tpu.memory_space<semaphore_mem>>) src(%dma_wait3A_274 : memref<512x1024xf32, #tpu.memory_space<any>>) dst(%dma_wait3A_270 : memref<512x1024xf32, #tpu.memory_space<vmem>>)
      } else {
      }
      %get3A_217 = arith.constant 0 : index
      %get3A_218 = arith.constant 512 : index
      %get3A_219 = vector.load %arg3[%get3A_217, %get3A_218] : memref<32x1024xf32, #tpu.memory_space<vmem>>, vector<32x512xf32>
      %get3A_220 = arith.constant 3 : index
      %get3A_221 = arith.constant 0 : index
      %get3A_222 = arith.constant 0 : index
      %get3A_223 = vector.load %arg8[%get3A_220, %get3A_221, %get3A_222] : memref<4x512x1024xf32, #tpu.memory_space<vmem>>, vector<1x512x1024xf32>
      %get3A_224 = vector.shape_cast %get3A_223 : vector<1x512x1024xf32> to vector<512x1024xf32>
      %dot_general3A_225 = arith.constant dense<0.000000e+00> : vector<32x1024xf32>
      %dot_general3A_226 = tpu.matmul %get3A_219, %get3A_224, %dot_general3A_225 {dimension_numbers = #tpu.dot_dimension_numbers<[1], [0], [0], [1], [0, 0, 1, 1], [], []>, transpose_lhs_hint = false} : vector<32x512xf32>, vector<512x1024xf32>, vector<32x1024xf32> -> vector<32x1024xf32>
      %add3A_227 = arith.addf %dot_general3A_202, %dot_general3A_226 : vector<32x1024xf32>
      %add3A_228 = arith.constant 4 : i32
      %add3A_229 = arith.addi %add3A_212, %add3A_228 : i32
      %lt3A_230 = arith.cmpi slt, %add3A_229, %mul3A_1 : i32
      %convert_element_type3A_231 = arith.extui %lt3A_230 : i1 to i32
      %cond3A_232 = arith.constant 0 : i32
      %cond3A_233 = arith.cmpi ne, %convert_element_type3A_231, %cond3A_232 : i32
      scf.if %cond3A_233 {
        %add3A_238 = arith.constant 4 : i32
        %add3A_239 = arith.addi %add3A_212, %add3A_238 : i32
        %jit3A_240 = arith.constant 2 : i32
        %div3A_241 = arith.divsi %add3A_239, %jit3A_240 : i32
        %sign3A_242 = arith.constant 0 : i32
        %sign3A_243 = arith.cmpi sgt, %add3A_239, %sign3A_242 : i32
        %sign3A_244 = arith.extui %sign3A_243 : i1 to i32
        %sign3A_245 = arith.constant 0 : i32
        %sign3A_246 = arith.cmpi slt, %add3A_239, %sign3A_245 : i32
        %sign3A_247 = arith.extui %sign3A_246 : i1 to i32
        %sign3A_248 = arith.subi %sign3A_244, %sign3A_247 : i32
        %sign3A_249 = arith.constant 0 : i32
        %sign3A_250 = arith.cmpi sgt, %jit3A_240, %sign3A_249 : i32
        %sign3A_251 = arith.extui %sign3A_250 : i1 to i32
        %sign3A_252 = arith.constant 0 : i32
        %sign3A_253 = arith.cmpi slt, %jit3A_240, %sign3A_252 : i32
        %sign3A_254 = arith.extui %sign3A_253 : i1 to i32
        %sign3A_255 = arith.subi %sign3A_251, %sign3A_254 : i32
        %ne3A_256 = arith.cmpi ne, %sign3A_248, %sign3A_255 : i32
        %rem3A_257 = arith.remsi %add3A_239, %jit3A_240 : i32
        %ne3A_258 = arith.constant 0 : i32
        %ne3A_259 = arith.cmpi ne, %rem3A_257, %ne3A_258 : i32
        %and3A_260 = arith.andi %ne3A_256, %ne3A_259 : i1
        %sub3A_261 = arith.constant 1 : i32
        %sub3A_262 = arith.subi %div3A_241, %sub3A_261 : i32
        %select_n3A_263 = arith.select %and3A_260, %sub3A_262, %div3A_241 : i32
        %get3A_264 = arith.index_cast %select_n3A_263 : i32 to index
        %get3A_265 = memref.load %arg1[%get3A_264] : memref<64xi32, #tpu.memory_space<smem>>
        %dma_start3A = arith.constant 3 : i32
        %dma_start3A_266 = arith.constant 3 : i32
        %dma_start3A_267 = tpu.memref_slice %arg9[%dma_start3A_266] : memref<4x!tpu.dma_semaphore, #tpu.memory_space<semaphore_mem>> -> memref<1x!tpu.dma_semaphore, #tpu.memory_space<semaphore_mem>>
        %dma_start3A_268 = tpu.memref_squeeze %dma_start3A_267 : memref<1x!tpu.dma_semaphore, #tpu.memory_space<semaphore_mem>> -> memref<!tpu.dma_semaphore, #tpu.memory_space<semaphore_mem>>
        %dma_start3A_269 = arith.constant 0 : i32
        %dma_start3A_270 = arith.constant 0 : i32
        %dma_start3A_271 = tpu.memref_slice %arg8[%dma_start3A, %dma_start3A_269, %dma_start3A_270] : memref<4x512x1024xf32, #tpu.memory_space<vmem>> -> memref<1x512x1024xf32, #tpu.memory_space<vmem>>
        %dma_start3A_272 = tpu.memref_squeeze %dma_start3A_271 : memref<1x512x1024xf32, #tpu.memory_space<vmem>> -> memref<512x1024xf32, #tpu.memory_space<vmem>>
        %dma_start3A_273 = arith.constant 512 : i32
        %dma_start3A_274 = arith.constant 0 : i32
        %dma_start3A_275 = tpu.memref_slice %arg6[%get3A_265, %dma_start3A_273, %dma_start3A_274] : memref<64x1024x1024xf32, #tpu.memory_space<any>> -> memref<1x512x1024xf32, #tpu.memory_space<any>>
        %dma_start3A_276 = tpu.memref_squeeze %dma_start3A_275 : memref<1x512x1024xf32, #tpu.memory_space<any>> -> memref<512x1024xf32, #tpu.memory_space<any>>
        tpu.enqueue_dma source(%dma_start3A_276 : memref<512x1024xf32, #tpu.memory_space<any>>) target(%dma_start3A_272 : memref<512x1024xf32, #tpu.memory_space<vmem>>) target_semaphore(%dma_start3A_268 : memref<!tpu.dma_semaphore, #tpu.memory_space<semaphore_mem>>)
      } else {
      }
      %lt3A_234 = arith.cmpi slt, %add3A_172, %get3A_0 : i32
      %convert_element_type3A_235 = arith.extui %lt3A_234 : i1 to i32
      %cond3A_236 = arith.constant 0 : i32
      %cond3A_237 = arith.cmpi ne, %convert_element_type3A_235, %cond3A_236 : i32
      scf.if %cond3A_237 {
        %get3A_238 = arith.constant 0 : index
        %get3A_239 = arith.constant 0 : index
        %get3A_240 = vector.load %arg7[%get3A_238, %get3A_239] : memref<32x1024xf32, #tpu.memory_space<vmem>>, vector<32x1024xf32>
        %mul3A_241 = vector.broadcast %dot_general3A_184 : vector<32x1xf32> to vector<32x1024xf32>
        %mul3A_242 = arith.mulf %add3A_227, %mul3A_241 : vector<32x1024xf32>
        %add3A_243 = arith.addf %get3A_240, %mul3A_242 : vector<32x1024xf32>
        %swap3A_244 = arith.constant 0 : index
        %swap3A_245 = arith.constant 0 : index
        %swap3A_246 = vector.load %arg7[%swap3A_244, %swap3A_245] : memref<32x1024xf32, #tpu.memory_space<vmem>>, vector<32x1024xf32>
        tpu.vector_store %arg7[%swap3A_244, %swap3A_245], %add3A_243 {strides = array<i32>} : memref<32x1024xf32, #tpu.memory_space<vmem>>, vector<32x1024xf32>,
      } else {
      }
    }
    return
  }
  func.func @transform_0(%arg0: i32, %arg1: memref<64xi32, #tpu.memory_space<smem>>, %arg2: memref<16xi32, #tpu.memory_space<smem>>) -> (i32, i32) {
    %c0_i32 = arith.constant 0 : i32
    %c0_i32_0 = arith.constant 0 : i32
    %c0_i32_1 = arith.constant 0 : i32
    return %c0_i32, %c0_i32_0 : i32, i32
  }
  func.func @transform_1(%arg0: i32, %arg1: memref<64xi32, #tpu.memory_space<smem>>, %arg2: memref<16xi32, #tpu.memory_space<smem>>) -> (i32, i32) {
    %c0_i32 = arith.constant 0 : i32
    %c0_i32_0 = arith.constant 0 : i32
    %c0_i32_1 = arith.constant 0 : i32
    return %c0_i32, %c0_i32_0 : i32, i32
  }
  func.func @transform_2(%arg0: i32, %arg1: memref<64xi32, #tpu.memory_space<smem>>, %arg2: memref<16xi32, #tpu.memory_space<smem>>) -> (i32, i32) {
    %c0_i32 = arith.constant 0 : i32
    %c0_i32_0 = arith.constant 0 : i32
    %c0_i32_1 = arith.constant 0 : i32
    return %c0_i32, %c0_i32_0 : i32, i32
  }
  func.func @transform_4(%arg0: i32, %arg1: memref<64xi32, #tpu.memory_space<smem>>, %arg2: memref<16xi32, #tpu.memory_space<smem>>) -> (i32, i32) {
    %c0_i32 = arith.constant 0 : i32
    %c0_i32_0 = arith.constant 0 : i32
    %c0_i32_1 = arith.constant 0 : i32
    return %c0_i32, %c0_i32_0 : i32, i32
  }
}

</mosaic_0001>

<sc_bundles>
// kernel: kernel.5.cloned.1.call-start
scs
__scs_entry_jumppad:
0x0: {  	(pc) =	sbr.rel $0x88, $3  }
0x1: {  	(tag) =	ssettag $0x0;
	lr =	simm.s32 $0x1  }
0x2: {  	[smem:$0x3F9C] =	sst lr;
	_ =	strace $0xD0000000  }
0x3: {  	_ = 	snop  }
0x4: {  	_ = 	snop  }
0x5: {  	_ = 	snop  }
0x6: {  	_ = 	snop  }
0x7: {  	_ = 	snop  }
__scs_overlays_trampoline_lowered:
0x8: {  	[smem:$0x3FAB] =	sst s0  }
0x9: {  	[smem:$0x3FAC] =	sst s1  }
0xa: {  	[smem:$0x3FAD] =	sst s2  }
0xb: {  	[smem:$0x3FAE] =	sst s3  }
0xc: {  	[smem:$0x3FAF] =	sst s4  }
0xd: {  	[smem:$0x3FB0] =	sst s5  }
0xe: {  	[smem:$0x3FB1] =	sst s6  }
0xf: {  	[smem:$0x3FB2] =	sst s7  }
0x10: {  	[smem:$0x3FB3] =	sst s8  }
0x11: {  	[smem:$0x3FB4] =	sst s9;
	s0 =	simm.s32 @!p0 $0x0  }
0x12: {  	s1 =	sld [smem:$0x3F9A];
	s0 =	simm.s32 @p0 $0x1  }
0x13: {  	[smem:$0x3FB5] =	sst s0;
	s0 =	simm.s32 @!p1 $0x0  }
0x14: {  	s2 =	sld [smem:$0x3F99];
	s0 =	simm.s32 @p1 $0x1  }
0x15: {  	[smem:$0x3FB6] =	sst s0;
	s0 =	simm.s32 @!p2 $0x0  }
0x16: {  	s3 =	sld [smem:$0x3FDB];
	s0 =	simm.s32 @p2 $0x1  }
0x17: {  	s4 =	simm.s32 $0x1BF5;
	[smem:$0x3FB8] =	sst s0  }
0x18: {  	s0 =	sld [smem:$0x3F9B];
	_ =	swait.ge [sflag:s4], $0x0  }
0x19: {  	s7 =	sld [smem:$0x3F9C]  }
0x1a: {  	s8 =	sadd.s32 $0xFFFFE003, lr  }
0x1b: {  	s9 =	sadd.s32 $0xFFFFFEF7, lr;
	s5 =	simm.s32 $0xFFFFFFFF;
	p2 =	slt.u32 s8, $0xFFFFF086  }
0x1c: {  	p1 =	slt.u32 s9, $0xF7A;
	s5 =	simm.s32 @!p2 $0x0  }
0x1d: {  	s5 =	simm.s32 @p1 $0x1;
	p0 =	seq.s32 s7, s2  }
0x1e: {  	s7 =	smul.u32 @!p0 $0xF7A, s2;
	p2 =	seq.s32 @!p0 s5, $0x0  }
0x1f: {  	s9 =	smul.u32 $0xF7A, s1;
	s8 =	simm.s32 @!p0 $0x1BF5;
	p2 =	por !p2, p0  }
0x20: {  	[sflag:s8] =	ssyncset.s32 @!p0 $0xFFFFF086;
	s6 =	sadd.s32 @!p0 s3, s7;
	s7 =	simm.s32 @!p0 $0x108  }
0x21: {  	s3 =	sadd.s32 s3, s9;
	s6 =	sadd.s32 @!p0 $0x88, s6;
	s7 =	simm.s32 @p2 $0x1082  }
0x22: {  	[simem:s7], [sflag:s8] =	dma.local @!p0 [hbm:s6], $0xF7A  }
0x23: {  	s9 =	sor.u32 $0xD0000000, s2;
	s6 =	simm.s32 $0x108;
	_ =	swait.ge @!p0 [sflag:s8], $0x0  }
0x24: {  	s3 =	sadd.s32 $0x88, s3;
	s6 =	simm.s32 @!p1 $0x1082;
	[sflag:s4] =	ssyncset.s32 $0xFFFFF086  }
0x25: {  	[simem:s6], [sflag:s4] =	dma.local [hbm:s3], $0xF7A  }
0x26: {  	[smem:$0x3F9C] =	sst s1;
	(tag) =	ssettag s2;
	_ =	strace s9  }
0x27: {  	s1 =	sld [smem:$0x3FAC]  }
0x28: {  	s2 =	sld [smem:$0x3FAD]  }
0x29: {  	s4 =	sld [smem:$0x3FAF]  }
0x2a: {  	p0 =	seq.s32 s5, $0x0;
	s5 =	sld [smem:$0x3FB0]  }
0x2b: {  	s6 =	sld [smem:$0x3FB1]  }
0x2c: {  	s7 =	sld [smem:$0x3FB2]  }
0x2d: {  	s3 =	simm.s32 $0x108;
	s8 =	sld [smem:$0x3FB3]  }
0x2e: {  	s3 =	simm.s32 @!p0 $0x1082;
	s9 =	sld [smem:$0x3FB4]  }
0x2f: {  	lr =	sadd.s32 s0, s3;
	s0 =	sld [smem:$0x3FAB]  }
0x30: {  	s3 =	sld [smem:$0x3FAE]  }
0x31: {  	[smem:$0x3FB7] =	sst s10  }
0x32: {  	s10 =	sld [smem:$0x3FB5];
	_ =	sdelay $0x3  }
0x33: {  	p0 =	seq.s32 s10, $0x1;
	s10 =	sld [smem:$0x3FB7];
	_ =	sdelay $0x3  }
0x34: {  	[smem:$0x3FB7] =	sst s10  }
0x35: {  	s10 =	sld [smem:$0x3FB6];
	_ =	sdelay $0x3  }
0x36: {  	p1 =	seq.s32 s10, $0x1;
	s10 =	sld [smem:$0x3FB7];
	_ =	sdelay $0x3  }
0x37: {  	[smem:$0x3FB7] =	sst s10  }
0x38: {  	s10 =	sld [smem:$0x3FB8]  }
0x39: {  	_ = 	snop;
	(pc) =	sbr.ind lr, $3  }
0x3a: {  	_ = 	snop  }
0x3b: {  	_ = 	snop  }
0x3c: {  	p2 =	seq.s32 s10, $0x1;
	s10 =	sld [smem:$0x3FB7]  }
0x3d: {  	_ =	shalt  }
0x3e: {  	_ =	shalt  }
0x3f: {  	_ =	shalt  }
0x40: {  	_ =	shalt  }
0x41: {  	_ =	shalt  }
0x42: {  	_ =	shalt  }
0x43: {  	_ =	shalt  }
0x44: {  	_ =	shalt  }
0x45: {  	_ =	shalt  }
0x46: {  	_ =	shalt  }
0x47: {  	_ =	shalt  }
0x48: {  	_ =	shalt  }
0x49: {  	_ =	shalt  }
0x4a: {  	_ =	shalt  }
0x4b: {  	_ =	shalt  }
0x4c: {  	_ =	shalt  }
0x4d: {  	_ =	shalt  }
0x4e: {  	_ =	shalt  }
0x4f: {  	_ =	shalt  }
0x50: {  	_ =	shalt  }
0x51: {  	_ =	shalt  }
0x52: {  	_ =	shalt  }
0x53: {  	_ =	shalt  }
0x54: {  	_ =	shalt  }
0x55: {  	_ =	shalt  }
0x56: {  	_ =	shalt  }
0x57: {  	_ =	shalt  }
0x58: {  	_ =	shalt  }
0x59: {  	_ =	shalt  }
0x5a: {  	_ =	shalt  }
0x5b: {  	_ =	shalt  }
0x5c: {  	_ =	shalt  }
0x5d: {  	_ =	shalt  }
0x5e: {  	_ =	shalt  }
0x5f: {  	_ =	shalt  }
0x60: {  	_ =	shalt  }
0x61: {  	_ =	shalt  }
0x62: {  	_ =	shalt  }
0x63: {  	_ =	shalt  }
0x64: {  	_ =	shalt  }
0x65: {  	_ =	shalt  }
0x66: {  	_ =	shalt  }
0x67: {  	_ =	shalt  }
0x68: {  	_ =	shalt  }
0x69: {  	_ =	shalt  }
0x6a: {  	_ =	shalt  }
0x6b: {  	_ =	shalt  }
0x6c: {  	_ =	shalt  }
0x6d: {  	_ =	shalt  }
0x6e: {  	_ =	shalt  }
0x6f: {  	_ =	shalt  }
0x70: {  	_ =	shalt  }
0x71: {  	_ =	shalt  }
0x72: {  	_ =	shalt  }
0x73: {  	_ =	shalt  }
0x74: {  	_ =	shalt  }
0x75: {  	_ =	shalt  }
0x76: {  	_ =	shalt  }
0x77: {  	_ =	shalt  }
0x78: {  	_ =	shalt  }
0x79: {  	_ =	shalt  }
0x7a: {  	_ =	shalt  }
0x7b: {  	_ =	shalt  }
0x7c: {  	_ =	shalt  }
0x7d: {  	_ =	shalt  }
0x7e: {  	_ =	shalt  }
0x7f: {  	_ =	shalt  }
0x80: {  	_ =	shalt  }
0x81: {  	_ =	shalt  }
0x82: {  	_ =	shalt  }
0x83: {  	_ =	shalt  }
0x84: {  	_ =	shalt  }
0x85: {  	_ =	shalt  }
0x86: {  	_ =	shalt  }
0x87: {  	_ =	shalt  }
.Lfunc_end0:
.L_simem_size_0:
called_computation_lowered:
.L_overlay_start_0:
0x88: {  	s2 =	sld [smem:$0x3FD9]  }
0x89: {  	s3 =	sld [smem:$0x3FFE];
	_ =	sdelay $0x1  }
0x8a: {  	s1 =	srdreg.scid  }
0x8b: {  	s0 =	sand.u32 $0x1, s1  }
0x8c: {  	s17 =	sshll.u32 s0, $0xA;
	s2 =	sadd.s32 s3, s2  }
0x8d: {  	s2 =	sadd.s32 s2, s17  }
0x8e: {  	[smem:$0x3FC3] =	sst s2  }
0x8f: {  	_ = 	snop  }
0x90: {  	s2 =	sld [smem:$0x3FD0];
	(tm) =	ssettm $0x1  }
0x91: {  	s18 =	sld [smem:$0x3FFB];
	_ =	sdelay $0x3  }
0x92: {  	_ =	strace s18  }
0x93: {  	s3 =	sld [smem:$0x3FFC];
	_ =	sdelay $0x3  }
0x94: {  	_ =	strace s3  }
0x95: {  	s3 =	sld [smem:$0x3FFD];
	_ =	sdelay $0x3  }
0x96: {  	_ =	strace s3  }
0x97: {  	_ =	strace $0x8FFFFFFF  }
0x98: {  	s19 =	sld [smem:$0x3FDB];
	_ =	sdelay $0x1  }
0x99: {  	s4 =	simm.s32 $_scs_section_size  }
0x9a: {  	s5 =	simm.s32 $_size__tile_overlayer_lowered;
	s6 =	simm.s32 $_tile_overlayer_lowered  }
0x9b: {  	s22 =	simm.s32 $0x1BFF;
	s21 =	sshll.u32 s6, $0x1;
	s3 =	sadd.s32 s4, s19  }
0x9c: {  	s7 =	simm.s32 $0x0;
	s20 =	sshll.u32 s5, $0x1;
	s5 =	sadd.s32 s21, s3  }
0x9d: {  	[timem:s7], [sflag:s22] =	dma.local [hbm:s5], s20  }
0x9e: {  	_ =	swait.ge [sflag:s22], s20  }
0x9f: {  	s4 =	ssub.s32 $0x0, s20;
	[sflag:s22] =	ssyncset.done $0x0  }
0xa0: {  	[sflag:s22] =	ssyncadd.s32 s4;
	_ =	sdelay $0x1  }
0xa1: {  	s23 =	simm.s32 $0x1B8B  }
0xa2: {  	_ =	swait.ge [sflag:s23], $0x1  }
0xa3: {  	[sflag:s23] =	ssyncset.done $0x0  }
0xa4: {  	s25 =	simm.s32 $0x1B8E;
	s24 =	sld [smem:$0x3FFE];
	[sflag:s23] =	ssyncadd.s32 $0xFFFFFFFF  }
0xa5: {  	s26 =	simm.s32 $execute0_lowered;
	[smem:$0x3FD2] =	sst s25  }
0xa6: {  	s5 =	sshll.u32 s26, $0x1;
	_ =	strace $0x80000046;
	[dreg:$0x1] =	wrdreg $0xFFFFFFFF  }
0xa7: {  	s28 =	simm.s32 $_size_execute0_lowered;
	s3 =	sadd.s32 s3, s5;
	[dreg:$0x0] =	wrdreg $0x0  }
0xa8: {  	s5 =	sshll.u32 s28, $0x1;
	[dreg:$0x2] =	wrdreg s3  }
0xa9: {  	[dreg:$0x3] =	wrdreg s5  }
0xaa: {  	[dreg:$0x4] =	wrdreg $0xC0  }
0xab: {  	_ =	task [dreg:s7], $0x5FFFF  }
0xac: {  	[dreg:$0x1] =	wrdreg $0xFFFFFFFF  }
0xad: {  	[dreg:$0x0] =	wrdreg $0x60  }
0xae: {  	[dreg:$0x2] =	wrdreg s2  }
0xaf: {  	[dreg:$0x3] =	wrdreg s24  }
0xb0: {  	[dreg:$0x4] =	wrdreg $0x9  }
0xb1: {  	_ =	task.clear_ibuf [dreg:s7], $0x5FFFF;
	_ =	strace $0x90000046  }
0xb2: {  	s29 =	simm.s32 $0x9;
	_ =	strace $0x80000048  }
0xb3: {  	_ =	swait.ge [sflag:s29], $0x1  }
0xb4: {  	[sflag:s29] =	ssyncadd.s32 $0xFFFFFFFF  }
0xb5: {  	_ =	strace $0x90000048  }
0xb6: {  	_ =	sfence  }
0xb7: {  	s30 =	sld [smem:$0x0];
	_ =	sdelay $0x2  }
0xb8: {  	s31 =	sshll.u32 s1, $0xD;
	s1 =	sshrl.u32 s1, $0x2  }
0xb9: {  	s3 =	sand.u32 $0x4000, s31;
	s1 =	sadd.s32 s1, s30  }
0xba: {  	s0 =	sor.u32 s3, s0;
	s1 =	sshll.u32 s1, $0x11  }
0xbb: {  	s0 =	sor.u32 s1, s0  }
0xbc: {  	s0 =	sadd.s32 $0x8F2B, s0  }
0xbd: {  	[sflag:s0] =	ssyncadd.remote.s32 $0x1  }
0xbe: {  	_ =	sfence.sel $0xFFFF  }
0xbf: {  	[dreg:$0x0] =	wrdreg $0xFFFFFFFF;
	(pc) =	sbr.abs _section_cstart, $3  }
0xc0: {  	[dreg:$0x1] =	wrdreg $0xFFFFFFFF  }
0xc1: {  	_ =	task.clear_ibuf [dreg:s7], $0x2FFFF;
	_ =	strace $0x9FFFFFFF  }
0xc2: {  	(tm) =	ssettm $0x7FFFFFFF  }
0xc3: {  	_ =	shalt  }
tec
execute0_lowered:
.L_overlay_start_1:
0x0: {  	(tag) =	ssettag $0x1  }
0x1: {  	s4 =	rddreg [dreg:$0x0]  }
0x2: {  	s2 =	rddreg [dreg:$0x1];
	s1 =	srdreg.scid  }
0x3: {  	s0 =	rddreg [dreg:$0x2];
	s5 =	sand.u32 $0x1, s1  }
0x4: {  	s3 =	simm.s32 $0x0;
	s1 =	stileid.u32;
	p0 =	seq.s32 s5, $0x1  }
0x5: {  	[smem:$0x7FF] =	sst s3;
	s5 =	sshll.u32 @!p0 s1, $0x5  }
0x6: {  	_ =	strace $0x80000047;
	s6 =	simm.s32 @!p0 $0x0;
	s4 =	sadd.s32 @!p0 s4, s5  }
0x7: {  	[tilespmem:s6], [sflag:$0x1] =	stream.linear.gather @!p0 [hbm4b:s4+s6], $0x100, $0x38;
	[tilespmem:$0x1300] =	vst v63  }
0x8: {  	s4 =	simm.s32 @!p0 $0x1  }
0x9: {  	_ =	swait.ge @!p0 [sflag:s4], $0x100  }
0xa: {  	[sflag:s4] =	ssyncset.done @!p0 $0x0  }
0xb: {  	[sflag:s4] =	ssyncadd.s32 @!p0 $0xFFFFFF00  }
0xc: {  	v5 =	vld @!p0 [tilespmem:$0x0]  }
0xd: {  	v12 =	vld @!p0 [tilespmem:$0x10]  }
0xe: {  	v13 =	vld @!p0 [tilespmem:$0x20]  }
0xf: {  	v14 =	vld @!p0 [tilespmem:$0x30];
	_ =	sdelay $0x1  }
0x10: {  	(xrf0) =	vmax.scan.msk.f32 @!p0 $0xffff, v5  }
0x11: {  	(xrf0) =	vmax.scan.msk.f32 @!p0 $0xffff, v12  }
0x12: {  	(xrf0) =	vmax.scan.msk.f32 @!p0 $0xffff, v13  }
0x13: {  	(xrf0) =	vmax.scan.msk.f32 @!p0 $0xffff, v14;
	_ =	sdelay $0x2  }
0x14: {  	v0, _, _ =	vpop @!p0 (xrf0)  }
0x15: {  	(v2sf) =	vpush @!p0 v0, $0xF;
	v0, _, _ =	vpop @!p0 (xrf0)  }
0x16: {  	(v2sf) =	vpush @!p0 v0, $0xF;
	v0, _, _ =	vpop @!p0 (xrf0)  }
0x17: {  	(v2sf) =	vpush @!p0 v0, $0xF;
	v0, _, _ =	vpop @!p0 (xrf0)  }
0x18: {  	(v2sf) =	vpush @!p0 v0, $0xF;
	_ =	sdelay $0xb  }
0x19: {  	s7 =	spop @!p0 (v2sf)  }
0x1a: {  	s8 =	spop @!p0 (v2sf)  }
0x1b: {  	s7 =	smax.f32 @!p0 s7, s8;
	s8 =	spop @!p0 (v2sf)  }
0x1c: {  	s7 =	smax.f32 @!p0 s7, s8;
	s8 =	spop @!p0 (v2sf)  }
0x1d: {  	s7 =	smax.f32 @!p0 s7, s8  }
0x1e: {  	v0 =	vmov @!p0 s7  }
0x1f: {  	v1 =	vsub.f32 @!p0 v5, v0  }
0x20: {  	v2 =	vsub.f32 @!p0 v12, v0  }
0x21: {  	v3 =	vsub.f32 @!p0 v13, v0;
	v1 =	vmul.f32 @!p0 $1.442695020e+00, v1  }
0x22: {  	v0 =	vsub.f32 @!p0 v14, v0;
	v2 =	vmul.f32 @!p0 $1.442695020e+00, v2  }
0x23: {  	(erf) = vpow2.f32 @!p0 v1;
	v1 =	vmul.f32 @!p0 $1.442695020e+00, v3  }
0x24: {  	v0 =	vmul.f32 @!p0 $1.442695020e+00, v0;
	(erf) = vpow2.f32 @!p0 v2  }
0x25: {  	(erf) = vpow2.f32 @!p0 v1  }
0x26: {  	(erf) = vpow2.f32 @!p0 v0;
	_ =	sdelay $0x5  }
0x27: {  	v4 =	vpop @!p0 (erf)  }
0x28: {  	v3 =	vpop @!p0 (erf);
	(xrf2) =	vadd.scan.msk.f32 @!p0 $0xffff, v4  }
0x29: {  	v2 =	vpop @!p0 (erf);
	(xrf2) =	vadd.scan.msk.f32 @!p0 $0xffff, v3  }
0x2a: {  	v0 =	vpop @!p0 (erf);
	(xrf2) =	vadd.scan.msk.f32 @!p0 $0xffff, v2  }
0x2b: {  	(xrf2) =	vadd.scan.msk.f32 @!p0 $0xffff, v0  }
0x2c: {  	v1 =	vlaneseq.u32 @!p0  }
0x2d: {  	vm0 =	veq.f32 @!p0 v5, s7;
	v8 =	vor.u32 @!p0 $0x80000000, v1  }
0x2e: {  	v9 =	vor.u32 @!p0 $0x80000010, v1;
	v6 =	vnsel @!p0 vm0, $0x8000270F, v8;
	vm0 =	veq.f32 @!p0 v12, s7  }
0x2f: {  	(xrf0) =	vmin.scan.msk.u32 @!p0 $0xffff, v6;
	v6 =	vnsel @!p0 vm0, $0x8000270F, v9;
	_ =	sdelay $0x1  }
0x30: {  	(xrf0) =	vmin.scan.msk.u32 @!p0 $0xffff, v6  }
0x31: {  	v10 =	vor.u32 @!p0 $0x80000020, v1;
	vm0 =	veq.f32 @!p0 v13, s7;
	v6, _, _ =	vpop @!p0 (xrf2)  }
0x32: {  	v7 =	vnsel @!p0 vm0, $0x8000270F, v10;
	(v2sf) =	vpush @!p0 v6, $0xF;
	v6, _, _ =	vpop @!p0 (xrf2)  }
0x33: {  	(xrf0) =	vmin.scan.msk.u32 @!p0 $0xffff, v7;
	(v2sf) =	vpush @!p0 v6, $0xF;
	v6, _, _ =	vpop @!p0 (xrf2)  }
0x34: {  	v11 =	vor.u32 @!p0 $0x80000030, v1;
	vm0 =	veq.f32 @!p0 v14, s7;
	(v2sf) =	vpush @!p0 v6, $0xF;
	v6, _, _ =	vpop @!p0 (xrf2)  }
0x35: {  	v7 =	vnsel @!p0 vm0, $0x8000270F, v11;
	(v2sf) =	vpush @!p0 v6, $0xF;
	v6, _, _ =	vpop @!p0 (xrf0)  }
0x36: {  	(xrf0) =	vmin.scan.msk.u32 @!p0 $0xffff, v7;
	(v2sf) =	vpush @!p0 v6, $0xF;
	v6, _, _ =	vpop @!p0 (xrf0)  }
0x37: {  	(v2sf) =	vpush @!p0 v6, $0xF;
	_ =	sdelay $0x1  }
0x38: {  	v6, _, _ =	vpop @!p0 (xrf0)  }
0x39: {  	(v2sf) =	vpush @!p0 v6, $0xF;
	_ =	sdelay $0x1  }
0x3a: {  	v6, _, _ =	vpop @!p0 (xrf0)  }
0x3b: {  	(v2sf) =	vpush @!p0 v6, $0xF;
	_ =	sdelay $0x3  }
0x3c: {  	s13 =	spop @!p0 (v2sf)  }
0x3d: {  	s14 =	spop @!p0 (v2sf)  }
0x3e: {  	s12 =	spop @!p0 (v2sf)  }
0x3f: {  	s11 =	spop @!p0 (v2sf)  }
0x40: {  	s7 =	spop @!p0 (v2sf)  }
0x41: {  	s8 =	spop @!p0 (v2sf)  }
0x42: {  	s7 =	sxor.u32 @!p0 $0x80000000, s7;
	s8 =	sxor.u32 @!p0 $0x80000000, s8  }
0x43: {  	p1 =	slt.s32 @!p0 s7, s8  }
0x44: {  	s9 =	spop @!p0 (v2sf);
	p1 =	por !p1, p0  }
0x45: {  	s7 =	smov.u32 @p1 s8;
	s8 =	sxor.u32 @!p0 $0x80000000, s9  }
0x46: {  	p1 =	slt.s32 @!p0 s7, s8  }
0x47: {  	s9 =	spop @!p0 (v2sf);
	p1 =	por !p1, p0  }
0x48: {  	s7 =	smov.u32 @p1 s8;
	s8 =	sxor.u32 @!p0 $0x80000000, s9  }
0x49: {  	p1 =	slt.s32 @!p0 s7, s8  }
0x4a: {  	p1 =	por !p1, p0  }
0x4b: {  	s7 =	smov.u32 @p1 s8  }
0x4c: {  	v15 =	vmov @!p0 s7  }
0x4d: {  	v7 =	vor.u32 @!p0 $0x10, v1;
	vm3 =	veq.s32 @!p0 v15, v1  }
0x4e: {  	v6 =	vor.u32 @!p0 $0x20, v1;
	vm2 =	veq.s32 @!p0 v15, v7;
	v16 =	vsel @!p0 vm3, $0xF149F2CA, v5  }
0x4f: {  	vm0 =	veq.s32 @!p0 v15, v6;
	v12 =	vsel @!p0 vm2, $0xF149F2CA, v12;
	v5 =	vor.u32 @!p0 $0x30, v1;
	(xrf0) =	vmax.scan.msk.f32 @!p0 $0xffff, v16  }
0x50: {  	v13 =	vsel @!p0 vm0, $0xF149F2CA, v13;
	vm1 =	veq.s32 @!p0 v15, v5;
	(xrf0) =	vmax.scan.msk.f32 @!p0 $0xffff, v12  }
0x51: {  	v14 =	vsel @!p0 vm1, $0xF149F2CA, v14;
	(xrf0) =	vmax.scan.msk.f32 @!p0 $0xffff, v13  }
0x52: {  	(xrf0) =	vmax.scan.msk.f32 @!p0 $0xffff, v14;
	_ =	sdelay $0x2  }
0x53: {  	v15, _, _ =	vpop @!p0 (xrf0)  }
0x54: {  	(v2sf) =	vpush @!p0 v15, $0xF;
	v15, _, _ =	vpop @!p0 (xrf0)  }
0x55: {  	(v2sf) =	vpush @!p0 v15, $0xF;
	v15, _, _ =	vpop @!p0 (xrf0)  }
0x56: {  	(v2sf) =	vpush @!p0 v15, $0xF;
	v15, _, _ =	vpop @!p0 (xrf0)  }
0x57: {  	(v2sf) =	vpush @!p0 v15, $0xF;
	_ =	sdelay $0xb  }
0x58: {  	s7 =	spop @!p0 (v2sf)  }
0x59: {  	s8 =	spop @!p0 (v2sf)  }
0x5a: {  	s7 =	smax.f32 @!p0 s7, s8;
	s8 =	spop @!p0 (v2sf)  }
0x5b: {  	s7 =	smax.f32 @!p0 s7, s8;
	s8 =	spop @!p0 (v2sf)  }
0x5c: {  	s7 =	smax.f32 @!p0 s7, s8  }
0x5d: {  	vm4 =	veq.f32 @!p0 v16, s7  }
0x5e: {  	v17 =	vld @!p0 [tilespmem:$0x80];
	v15 =	vnsel @!p0 vm4, $0x8000270F, v8;
	vm4 =	veq.f32 @!p0 v12, s7  }
0x5f: {  	v18 =	vld @!p0 [tilespmem:$0x90];
	(xrf0) =	vmin.scan.msk.u32 @!p0 $0xffff, v15;
	v12 =	vnsel @!p0 vm4, $0x8000270F, v9;
	vm4 =	veq.f32 @!p0 v13, s7  }
0x60: {  	v19 =	vld @!p0 [tilespmem:$0xA0];
	(xrf0) =	vmin.scan.msk.u32 @!p0 $0xffff, v12;
	v12 =	vnsel @!p0 vm4, $0x8000270F, v10;
	vm4 =	veq.f32 @!p0 v14, s7  }
0x61: {  	v20 =	vld @!p0 [tilespmem:$0xB0];
	(xrf0) =	vmin.scan.msk.u32 @!p0 $0xffff, v12;
	v12 =	vnsel @!p0 vm4, $0x8000270F, v11  }
0x62: {  	(xrf0) =	vmin.scan.msk.u32 @!p0 $0xffff, v12  }
0x63: {  	(xrf0) =	vmax.scan.msk.f32 @!p0 $0xffff, v17  }
0x64: {  	(xrf0) =	vmax.scan.msk.f32 @!p0 $0xffff, v18  }
0x65: {  	v12, _, _ =	vpop @!p0 (xrf0);
	(xrf0) =	vmax.scan.msk.f32 @!p0 $0xffff, v19  }
0x66: {  	(v2sf) =	vpush @!p0 v12, $0xF;
	v12, _, _ =	vpop @!p0 (xrf0);
	(xrf0) =	vmax.scan.msk.f32 @!p0 $0xffff, v20  }
0x67: {  	v13, _, _ =	vpop @!p0 (xrf0);
	(v2sf) =	vpush @!p0 v12, $0xF  }
0x68: {  	v12, _, _ =	vpop @!p0 (xrf0);
	(v2sf) =	vpush @!p0 v13, $0xF  }
0x69: {  	(v2sf) =	vpush @!p0 v12, $0xF;
	v12, _, _ =	vpop @!p0 (xrf0)  }
0x6a: {  	(v2sf) =	vpush @!p0 v12, $0xF;
	v12, _, _ =	vpop @!p0 (xrf0)  }
0x6b: {  	(v2sf) =	vpush @!p0 v12, $0xF;
	v12, _, _ =	vpop @!p0 (xrf0)  }
0x6c: {  	(v2sf) =	vpush @!p0 v12, $0xF;
	v12, _, _ =	vpop @!p0 (xrf0)  }
0x6d: {  	(v2sf) =	vpush @!p0 v12, $0xF;
	_ =	sdelay $0x7  }
0x6e: {  	s9 =	spop @!p0 (v2sf)  }
0x6f: {  	s10 =	spop @!p0 (v2sf)  }
0x70: {  	s8 =	spop @!p0 (v2sf)  }
0x71: {  	s7 =	spop @!p0 (v2sf)  }
0x72: {  	s15 =	spop @!p0 (v2sf)  }
0x73: {  	s13 =	sadd.f32 @!p0 s14, s13;
	s14 =	spop @!p0 (v2sf)  }
0x74: {  	s14 =	smax.f32 @!p0 s15, s14;
	s15 =	spop @!p0 (v2sf)  }
0x75: {  	s14 =	smax.f32 @!p0 s14, s15;
	s15 =	spop @!p0 (v2sf)  }
0x76: {  	s12 =	sadd.f32 @!p0 s13, s12;
	s13 =	smax.f32 @!p0 s14, s15  }
0x77: {  	v12 =	vmov @!p0 s13  }
0x78: {  	s11 =	sadd.f32 @!p0 s12, s11;
	v13 =	vsub.f32 @!p0 v17, v12;
	_ =	sdelay $0x1  }
0x79: {  	v15 =	vmov @!p0 s11;
	v14 =	vsub.f32 @!p0 v18, v12;
	v13 =	vmul.f32 @!p0 $1.442695020e+00, v13  }
0x7a: {  	(erf) = vrcp.f32 @!p0 v15;
	v16 =	vsub.f32 @!p0 v19, v12  }
0x7b: {  	v12 =	vsub.f32 @!p0 v20, v12;
	v14 =	vmul.f32 @!p0 $1.442695020e+00, v14;
	(erf) = vpow2.f32 @!p0 v13  }
0x7c: {  	v13 =	vmul.f32 @!p0 $1.442695020e+00, v16  }
0x7d: {  	v12 =	vmul.f32 @!p0 $1.442695020e+00, v12;
	(erf) = vpow2.f32 @!p0 v14  }
0x7e: {  	(erf) = vpow2.f32 @!p0 v13  }
0x7f: {  	(erf) = vpow2.f32 @!p0 v12;
	_ =	sdelay $0x3  }
0x80: {  	v16 =	vpop @!p0 (erf)  }
0x81: {  	v15 =	vpop @!p0 (erf)  }
0x82: {  	(xrf2) =	vadd.scan.msk.f32 @!p0 $0xffff, v15  }
0x83: {  	v14 =	vpop @!p0 (erf)  }
0x84: {  	v13 =	vpop @!p0 (erf);
	(xrf2) =	vadd.scan.msk.f32 @!p0 $0xffff, v14  }
0x85: {  	v12 =	vpop @!p0 (erf);
	(xrf2) =	vadd.scan.msk.f32 @!p0 $0xffff, v13  }
0x86: {  	(xrf2) =	vadd.scan.msk.f32 @!p0 $0xffff, v12  }
0x87: {  	vm4 =	veq.f32 @!p0 v17, s13  }
0x88: {  	v21 =	vnsel @!p0 vm4, $0x8000270F, v8;
	vm4 =	veq.f32 @!p0 v18, s13  }
0x89: {  	(xrf0) =	vmin.scan.msk.u32 @!p0 $0xffff, v21;
	v21 =	vnsel @!p0 vm4, $0x8000270F, v9;
	_ =	sdelay $0x2  }
0x8a: {  	vm4 =	veq.f32 @!p0 v19, s13;
	(xrf0) =	vmin.scan.msk.u32 @!p0 $0xffff, v21;
	v21, _, _ =	vpop @!p0 (xrf2)  }
0x8b: {  	(v2sf) =	vpush @!p0 v21, $0xF;
	v21 =	vnsel @!p0 vm4, $0x8000270F, v10  }
0x8c: {  	v22, _, _ =	vpop @!p0 (xrf2)  }
0x8d: {  	v23, _, _ =	vpop @!p0 (xrf2);
	(v2sf) =	vpush @!p0 v22, $0xF;
	(xrf0) =	vmin.scan.msk.u32 @!p0 $0xffff, v21  }
0x8e: {  	vm4 =	veq.f32 @!p0 v20, s13;
	(v2sf) =	vpush @!p0 v23, $0xF;
	v21, _, _ =	vpop @!p0 (xrf2)  }
0x8f: {  	v22 =	vnsel @!p0 vm4, $0x8000270F, v11;
	(v2sf) =	vpush @!p0 v21, $0xF;
	v21, _, _ =	vpop @!p0 (xrf0)  }
0x90: {  	(xrf0) =	vmin.scan.msk.u32 @!p0 $0xffff, v22;
	(v2sf) =	vpush @!p0 v21, $0xF;
	v21, _, _ =	vpop @!p0 (xrf0)  }
0x91: {  	(v2sf) =	vpush @!p0 v21, $0xF;
	_ =	sdelay $0x1  }
0x92: {  	v21, _, _ =	vpop @!p0 (xrf0)  }
0x93: {  	(v2sf) =	vpush @!p0 v21, $0xF;
	_ =	sdelay $0x1  }
0x94: {  	v21, _, _ =	vpop @!p0 (xrf0)  }
0x95: {  	(v2sf) =	vpush @!p0 v21, $0xF;
	_ =	sdelay $0x3  }
0x96: {  	s13 =	spop @!p0 (v2sf)  }
0x97: {  	s14 =	spop @!p0 (v2sf)  }
0x98: {  	s12 =	spop @!p0 (v2sf)  }
0x99: {  	s11 =	spop @!p0 (v2sf)  }
0x9a: {  	s15 =	spop @!p0 (v2sf)  }
0x9b: {  	s16 =	spop @!p0 (v2sf)  }
0x9c: {  	s15 =	sxor.u32 @!p0 $0x80000000, s15;
	s16 =	sxor.u32 @!p0 $0x80000000, s16  }
0x9d: {  	p1 =	slt.s32 @!p0 s15, s16  }
0x9e: {  	s17 =	spop @!p0 (v2sf);
	p1 =	por !p1, p0  }
0x9f: {  	s15 =	smov.u32 @p1 s16;
	s16 =	sxor.u32 @!p0 $0x80000000, s17  }
0xa0: {  	p1 =	slt.s32 @!p0 s15, s16  }
0xa1: {  	s17 =	spop @!p0 (v2sf);
	p1 =	por !p1, p0  }
0xa2: {  	s15 =	smov.u32 @p1 s16;
	s16 =	sxor.u32 @!p0 $0x80000000, s17  }
0xa3: {  	p1 =	slt.s32 @!p0 s15, s16  }
0xa4: {  	p1 =	por !p1, p0  }
0xa5: {  	s15 =	smov.u32 @p1 s16  }
0xa6: {  	v21 =	vmov @!p0 s15  }
0xa7: {  	vm7 =	veq.s32 @!p0 v21, v1  }
0xa8: {  	vm6 =	veq.s32 @!p0 v21, v7;
	v17 =	vsel @!p0 vm7, $0xF149F2CA, v17  }
0xa9: {  	vm5 =	veq.s32 @!p0 v21, v6;
	v18 =	vsel @!p0 vm6, $0xF149F2CA, v18;
	(xrf0) =	vmax.scan.msk.f32 @!p0 $0xffff, v17  }
0xaa: {  	vm4 =	veq.s32 @!p0 v21, v5;
	v19 =	vsel @!p0 vm5, $0xF149F2CA, v19;
	(xrf0) =	vmax.scan.msk.f32 @!p0 $0xffff, v18  }
0xab: {  	v20 =	vsel @!p0 vm4, $0xF149F2CA, v20;
	(xrf0) =	vmax.scan.msk.f32 @!p0 $0xffff, v19  }
0xac: {  	(xrf0) =	vmax.scan.msk.f32 @!p0 $0xffff, v20;
	_ =	sdelay $0x2  }
0xad: {  	v21, _, _ =	vpop @!p0 (xrf0)  }
0xae: {  	(v2sf) =	vpush @!p0 v21, $0xF;
	v21, _, _ =	vpop @!p0 (xrf0)  }
0xaf: {  	(v2sf) =	vpush @!p0 v21, $0xF;
	v21, _, _ =	vpop @!p0 (xrf0)  }
0xb0: {  	(v2sf) =	vpush @!p0 v21, $0xF;
	v21, _, _ =	vpop @!p0 (xrf0)  }
0xb1: {  	(v2sf) =	vpush @!p0 v21, $0xF;
	_ =	sdelay $0xb  }
0xb2: {  	s15 =	spop @!p0 (v2sf)  }
0xb3: {  	s16 =	spop @!p0 (v2sf)  }
0xb4: {  	s15 =	smax.f32 @!p0 s15, s16;
	s16 =	spop @!p0 (v2sf)  }
0xb5: {  	s15 =	smax.f32 @!p0 s15, s16;
	s16 =	spop @!p0 (v2sf)  }
0xb6: {  	s15 =	smax.f32 @!p0 s15, s16  }
0xb7: {  	vm8 =	veq.f32 @!p0 v17, s15  }
0xb8: {  	v8 =	vnsel @!p0 vm8, $0x8000270F, v8;
	vm8 =	veq.f32 @!p0 v18, s15  }
0xb9: {  	(xrf0) =	vmin.scan.msk.u32 @!p0 $0xffff, v8;
	v8 =	vnsel @!p0 vm8, $0x8000270F, v9  }
0xba: {  	(xrf0) =	vmin.scan.msk.u32 @!p0 $0xffff, v8  }
0xbb: {  	vm8 =	veq.f32 @!p0 v19, s15  }
0xbc: {  	v8 =	vnsel @!p0 vm8, $0x8000270F, v10  }
0xbd: {  	(xrf0) =	vmin.scan.msk.u32 @!p0 $0xffff, v8  }
0xbe: {  	vm8 =	veq.f32 @!p0 v20, s15  }
0xbf: {  	v9 =	vnsel @!p0 vm8, $0x8000270F, v11;
	v8, _, _ =	vpop @!p0 (xrf0)  }
0xc0: {  	(xrf0) =	vmin.scan.msk.u32 @!p0 $0xffff, v9;
	(v2sf) =	vpush @!p0 v8, $0xF;
	v8, _, _ =	vpop @!p0 (xrf0)  }
0xc1: {  	(v2sf) =	vpush @!p0 v8, $0xF;
	_ =	sdelay $0x1  }
0xc2: {  	v8, _, _ =	vpop @!p0 (xrf0)  }
0xc3: {  	(v2sf) =	vpush @!p0 v8, $0xF;
	_ =	sdelay $0x1  }
0xc4: {  	v8, _, _ =	vpop @!p0 (xrf0)  }
0xc5: {  	(v2sf) =	vpush @!p0 v8, $0xF;
	_ =	sdelay $0x1  }
0xc6: {  	s9 =	sxor.u32 @!p0 $0x80000000, s9;
	s10 =	sxor.u32 @!p0 $0x80000000, s10  }
0xc7: {  	s13 =	sadd.f32 @!p0 s14, s13;
	p1 =	slt.s32 @!p0 s9, s10  }
0xc8: {  	p1 =	por !p1, p0  }
0xc9: {  	s9 =	smov.u32 @p1 s10;
	s10 =	sadd.f32 @!p0 s13, s12  }
0xca: {  	s8 =	sxor.u32 @!p0 $0x80000000, s8  }
0xcb: {  	p1 =	slt.s32 @!p0 s9, s8;
	s10 =	sadd.f32 @!p0 s10, s11  }
0xcc: {  	p1 =	por !p1, p0;
	s11 =	spop @!p0 (v2sf)  }
0xcd: {  	s7 =	sxor.u32 @!p0 $0x80000000, s7;
	s9 =	smov.u32 @p1 s8;
	v8 =	vmov @!p0 s10;
	s8 =	spop @!p0 (v2sf)  }
0xce: {  	p1 =	slt.s32 @!p0 s9, s7;
	(erf) = vrcp.f32 @!p0 v8;
	s10 =	sxor.u32 @!p0 $0x80000000, s11;
	s8 =	sxor.u32 @!p0 $0x80000000, s8  }
0xcf: {  	p1 =	por !p1, p0;
	p2 =	slt.s32 @!p0 s10, s8  }
0xd0: {  	s9 =	smov.u32 @p1 s7;
	s11 =	spop @!p0 (v2sf);
	p2 =	por !p2, p0  }
0xd1: {  	v8 =	vmov @!p0 s9;
	s7 =	sxor.u32 @!p0 $0x80000000, s11;
	s10 =	smov.u32 @p2 s8  }
0xd2: {  	v4 =	vmul.f32 @!p0 v16, v4;
	vm8 =	veq.s32 @!p0 v8, v1;
	p1 =	slt.s32 @!p0 s10, s7  }
0xd3: {  	v3 =	vmul.f32 @!p0 v16, v3;
	vm3 =	vmor @!p0 vm3, vm8;
	s8 =	spop @!p0 (v2sf);
	p1 =	por !p1, p0  }
0xd4: {  	v2 =	vmul.f32 @!p0 v16, v2;
	v4 =	vnsel @!p0 vm3, $0x0, v4;
	vm3 =	veq.s32 @!p0 v8, v7;
	s10 =	smov.u32 @p1 s7;
	s7 =	sxor.u32 @!p0 $0x80000000, s8  }
0xd5: {  	v0 =	vmul.f32 @!p0 v16, v0;
	vm2 =	vmor @!p0 vm2, vm3;
	vm3 =	veq.s32 @!p0 v8, v6;
	p1 =	slt.s32 @!p0 s10, s7  }
0xd6: {  	v3 =	vnsel @!p0 vm2, $0x0, v3;
	vm0 =	vmor @!p0 vm0, vm3;
	vm2 =	veq.s32 @!p0 v8, v5;
	p1 =	por !p1, p0  }
0xd7: {  	v2 =	vnsel @!p0 vm0, $0x0, v2;
	vm0 =	vmor @!p0 vm1, vm2;
	v9 =	vpop @!p0 (erf);
	s10 =	smov.u32 @p1 s7  }
0xd8: {  	[tilespmem:$0x110] =	vst @!p0 v3;
	v0 =	vnsel @!p0 vm0, $0x0, v0;
	v3 =	vmul.f32 @!p0 v9, v14;
	v8 =	vmov @!p0 s10  }
0xd9: {  	[tilespmem:$0x100] =	vst @!p0 v4;
	vm1 =	veq.s32 @!p0 v8, v1;
	v1 =	vmul.f32 @!p0 v9, v15;
	vm2 =	veq.s32 @!p0 v8, v7  }
0xda: {  	[tilespmem:$0x120] =	vst @!p0 v2;
	v2 =	vmul.f32 @!p0 v9, v13;
	vm1 =	vmor @!p0 vm7, vm1;
	vm0 =	vmor @!p0 vm6, vm2  }
0xdb: {  	[tilespmem:$0x130] =	vst @!p0 v0;
	v1 =	vnsel @!p0 vm1, $0x0, v1;
	v0 =	vnsel @!p0 vm0, $0x0, v3;
	vm0 =	veq.s32 @!p0 v8, v6  }
0xdc: {  	vm1 =	veq.s32 @!p0 v8, v5;
	[tilespmem:$0x180] =	vst @!p0 v1;
	vm0 =	vmor @!p0 vm5, vm0;
	v1 =	vmul.f32 @!p0 v9, v12  }
0xdd: {  	[tilespmem:$0x190] =	vst @!p0 v0;
	v0 =	vnsel @!p0 vm0, $0x0, v2;
	vm0 =	vmor @!p0 vm4, vm1  }
0xde: {  	s7 =	sadd.s32 $0x1800, s2;
	p1 =	sne.s32 @!p0 s1, $0x0;
	[tilespmem:$0x1A0] =	vst @!p0 v0;
	v0 =	vnsel @!p0 vm0, $0x0, v1  }
0xdf: {  	s8 =	simm.s32 @!p0 $0x100;
	s5 =	sadd.s32 @!p0 s7, s5;
	p1 =	por p0, p1;
	[tilespmem:$0x1B0] =	vst @!p0 v0  }
0xe0: {  	[hbm4b:s5+s6] =	stream.linear.scatter @!p0 [tilespmem:s8], [sflag:$0x1], $0x100, $0x38;
	[tilespmem:$0x1300] =	vst v63  }
.Ltmp0:
0xe1: {  	_ =	swait.ge @!p0 [sflag:s4], $0x100;
	(pc) =	sbr.rel @p1 .LBB2_4-.Ltmp0, $3  }
0xe2: {  	[sflag:s4] =	ssyncset.done @!p0 $0x0  }
0xe3: {  	[sflag:s4] =	ssyncadd.s32 @!p0 $0xFFFFFF00  }
0xe4: {  	[bflag:$0x0] =	sbarrier.arrive @!p0 $0xFFFF;
	_ =	sdelay $0x1  }
0xe5: {  	s4 =	simm.s32 $0x200;
	s31 =	simm.s32 $0x1  }
0xe6: {  	[tilespmem:s4], [sflag:$0x1] =	stream.linear.gather [hbm4b:s7+s3], $0x1000, $0x38;
	[tilespmem:$0x1300] =	vst v63  }
0xe7: {  	_ =	swait.ge [sflag:s31], $0x1000  }
0xe8: {  	[sflag:s31] =	ssyncset.done $0x0  }
0xe9: {  	s5 =	simm.s32 $0x0;
	[sflag:s31] =	ssyncadd.s32 $0xFFFFF000  }
0xea: {  	v1 =	vld [tilespmem:s5+$0x230]  }
0xeb: {  	v2 =	vld [tilespmem:s5+$0x200]  }
0xec: {  	v0 =	vimm.f32 $0.0e+00;
	v3 =	vld [tilespmem:s5+$0x210]  }
0xed: {  	v6 =	vimm.f32 $0.0e+00;
	v7 =	vimm.f32 $0.0e+00;
	v5 =	vimm.f32 $0.0e+00;
	s3 =	sadd.s32 $0x1A00, s2;
	s2 =	sadd.s32 $0x1C00, s2;
	s4 =	simm.s32 $0x200;
	v4 =	vld [tilespmem:s5+$0x220]  }
.LBB2_2:
0xee: {  	p0 =	sne.s32 s4, $0x3E00  }
.Ltmp1:
0xef: {  	s5 =	sshra.s32 s4, $0x2;
	s4 =	sadd.s32 $0x200, s4;
	v0 =	vmax.f32 v0, v1;
	(pc) =	sbr.rel @p0 .LBB2_2-.Ltmp1, $4  }
0xf0: {  	v1 =	vld [tilespmem:s5+$0x230];
	v6 =	vmax.f32 v6, v2  }
0xf1: {  	v2 =	vld [tilespmem:s5+$0x200];
	v7 =	vmax.f32 v7, v3  }
0xf2: {  	v3 =	vld [tilespmem:s5+$0x210];
	v5 =	vmax.f32 v5, v4  }
0xf3: {  	v4 =	vld [tilespmem:s5+$0x220]  }
0xf4: {  	_ =	sdelay $0x1  }
0xf5: {  	v2 =	vmax.f32 v6, v2  }
0xf6: {  	v42 =	vimm.s32 $0x0;
	v3 =	vmax.f32 v7, v3;
	vm0 =	vgt.f32 v2, $0.0e+00  }
0xf7: {  	v4 =	vmax.f32 v5, v4;
	v43 =	vsel vm0, $0x1, v42;
	vm1 =	vgt.f32 v3, $0.0e+00  }
0xf8: {  	(xrf0) =	vadd.scan.msk.s32 $0xffff, v43;
	v3 =	vsel vm1, $0x1, v42;
	vm2 =	vgt.f32 v4, $0.0e+00  }
0xf9: {  	(xrf0) =	vadd.scan.msk.s32 $0xffff, v3;
	v44 =	vsel vm2, $0x1, v42  }
0xfa: {  	(xrf0) =	vadd.scan.msk.s32 $0xffff, v44;
	_ =	sdelay $0x2  }
0xfb: {  	v0 =	vmax.f32 v0, v1  }
0xfc: {  	vm3 =	vgt.f32 v0, $0.0e+00;
	v45, _, _ =	vpop (xrf0)  }
0xfd: {  	v2 =	vsel vm3, $0x1, v42;
	v46, _, _ =	vpop (xrf0);
	(v2sf) =	vpush v45, $0xF  }
0xfe: {  	(xrf0) =	vadd.scan.msk.s32 $0xffff, v2;
	(v2sf) =	vpush v46, $0xF;
	v3, _, _ =	vpop (xrf0)  }
0xff: {  	(v2sf) =	vpush v3, $0xF;
	_ =	sdelay $0x4  }
0x100: {  	v2, _, _ =	vpop (xrf0)  }
0x101: {  	(v2sf) =	vpush v2, $0xF;
	_ =	sdelay $0x6  }
0x102: {  	s4 =	spop (v2sf)  }
0x103: {  	s5 =	spop (v2sf)  }
0x104: {  	s6 =	spop (v2sf);
	s4 =	sadd.s32 s4, s5  }
0x105: {  	v1 =	vadd.s32 $0xFFFFFFFF, v45;
	v47 =	vmov s4;
	s4 =	sadd.s32 s6, s4  }
0x106: {  	v48 =	vbroadcast v1, $0xF;
	v4 =	vadd.s32 $0xFFFFFFFF, v47;
	v49 =	vmov s4  }
0x107: {  	v4 =	vbroadcast v4, $0x0;
	v6 =	vadd.s32 $0xFFFFFFFF, v49  }
0x108: {  	vm4 =	vgt.s32 v1, $0x0;
	v0 =	vadd.s32 v46, v48;
	v50 =	vbroadcast v6, $0x0  }
0x109: {  	v1 =	vnsel vm4, $0x0, v1;
	vm9 =	vgt.s32 v0, $0x0;
	v3 =	vadd.s32 v3, v4  }
0x10a: {  	v0 =	vnsel vm9, $0x0, v0;
	s26 =	spop (v2sf);
	vm10 =	vgt.s32 v3, $0x0;
	v2 =	vadd.s32 v2, v50  }
0x10b: {  	s4 =	sadd.s32 s26, s4;
	v3 =	vnsel vm10, $0x0, v3;
	vm11 =	vgt.s32 v2, $0x0  }
0x10c: {  	s5 =	sadd.s32 $0xFFFFFFFF, s4;
	v2 =	vnsel vm11, $0x0, v2  }
0x10d: {  	v51 =	vlaneseq.u32;
	s28 =	simm.s32 $0x1200;
	v52 =	vmov s5  }
0x10e: {  	v53 =	vor.u32 $0x10, v51;
	[tilespmem:v1+s28+$0x0] =	vst.idx.msk vm0, v51  }
0x10f: {  	v54 =	vor.u32 $0x20, v51;
	[tilespmem:v0+s28+$0x0] =	vst.idx.msk vm1, v53  }
0x110: {  	v55 =	vor.u32 $0x30, v51;
	[tilespmem:v3+s28+$0x0] =	vst.idx.msk vm2, v54  }
0x111: {  	[tilespmem:v2+s28+$0x0] =	vst.idx.msk vm3, v55  }
0x112: {  	v0 =	vld.idx.msk [tilespmem:v52+s28+$0x0], $0xffff  }
0x113: {  	v1 =	vld [tilespmem:$0x1200]  }
0x114: {  	v2 =	vld [tilespmem:$0x1210]  }
0x115: {  	v3 =	vld [tilespmem:$0x1220]  }
0x116: {  	v57 =	vadd.s32 $0x1, v51;
	v56 =	vmov s4;
	v58 =	vld [tilespmem:$0x1230]  }
0x117: {  	v59 =	vadd.s32 $0x11, v51;
	vm12 =	vlt.s32 v56, v57  }
0x118: {  	v60 =	vadd.s32 $0x21, v51;
	vm13 =	vlt.s32 v56, v59;
	[tilespmem:$0x1280] =	vst v56;
	v1 =	vsel vm12, v0, v1  }
0x119: {  	v62 =	vadd.s32 $0x31, v51;
	vm14 =	vlt.s32 v56, v60;
	v61 =	vsel vm13, v0, v2;
	[tilespmem:$0x1200] =	vst v1  }
0x11a: {  	vm15 =	vlt.s32 v56, v62;
	v63 =	vsel vm14, v0, v3;
	[tilespmem:$0x1210] =	vst v61  }
0x11b: {  	v0 =	vsel vm15, v0, v58;
	[tilespmem:$0x1220] =	vst v63  }
0x11c: {  	s29 =	simm.s32 $0x0;
	s30 =	simm.s32 $0x1;
	[tilespmem:$0x1230] =	vst v0  }
0x11d: {  	[hbm4b:s3+s29] =	stream.linear.scatter [tilespmem:s28], [sflag:$0x1], $0x80, $0x38;
	[tilespmem:$0x1300] =	vst v63  }
0x11e: {  	_ =	swait.ge [sflag:s30], $0x80  }
0x11f: {  	[sflag:s30] =	ssyncset.done $0x0  }
0x120: {  	s31 =	simm.s32 $0x1280;
	[sflag:s30] =	ssyncadd.s32 $0xFFFFFF80  }
0x121: {  	[hbm4b:s2+s29] =	stream.linear.scatter [tilespmem:s31], [sflag:$0x1], $0x80, $0x38;
	[tilespmem:$0x1300] =	vst v63  }
0x122: {  	_ =	swait.ge [sflag:s30], $0x80  }
0x123: {  	[sflag:s30] =	ssyncset.done $0x0  }
0x124: {  	[sflag:s30] =	ssyncadd.s32 $0xFFFFFF80  }
.LBB2_4:
0x125: {  	_ =	sfence.sel $0x180000  }
0x126: {  	[bflag:$0x0] =	sbarrier.arrive $0xFFFF  }
0x127: {  	p0 =	sne.s32 s1, $0x0;
	_ =	strace $0x90000047  }
0x128: {  	s0 =	sadd.s32 @!p0 $0x100000, s0;
	[bflag:$0x2] =	sbarrier.arrive $0xFFFF  }
0x129: {  	[sflag:s0] =	ssyncadd.tile.s32 @!p0 $0x1;
	_ =	shalt  }
.Lfunc_end2:
_tile_overlayer_lowered:
.L_overlay_start_2:
0x12a: {  	(tag) =	ssettag $0x2  }
0x12b: {  	s0 =	rddreg [dreg:$0x0];
	s2 =	stileid.u32  }
0x12c: {  	s1 =	rddreg [dreg:$0x1];
	p0 =	sne.s32 s2, $0x0  }
0x12d: {  	s3 =	rddreg [dreg:$0x2];
	[bflag:$0x3] =	sbarrier.arrive $0xFFFF;
	s2 =	simm.s32 @!p0 $0x1C01  }
0x12e: {  	[timem:s3], [sflag:s2] =	dma.local @!p0 [hbm:s0], s1  }
0x12f: {  	s0 =	simm.s32 @!p0 $0x1  }
0x130: {  	_ =	swait.ge @!p0 [sflag:s0], s1  }
0x131: {  	s1 =	ssub.s32 @!p0 $0x0, s1;
	[sflag:s0] =	ssyncset.done @!p0 $0x0  }
0x132: {  	[sflag:s0] =	ssyncadd.s32 @!p0 s1  }
0x133: {  	[bflag:$0x3] =	sbarrier.arrive $0xFFFF  }
0x134: {  	_ =	shalt  }

</sc_bundles>
